<compile_context>
chip_gen: v7x
topology: tpu7x:2x2x1
jax: 0.10.2.dev20260603
libtpu: 0.0.44.dev20260713+nightly
codegen_flags: <defaults>
</compile_context>

<pallas_src>
import jax
import jax.numpy as jnp
from jax import lax
from jax.experimental import pallas as pl
from jax.experimental.pallas import tpu as pltpu
from jax.experimental.pallas import tpu_sc as plsc

P = 97
TOTAL = 32768
NSUB = 16
CHUNK = TOTAL // NSUB
NVEC = CHUNK // 16

_IN_BOUNDS = lax.GatherScatterMode.PROMISE_IN_BOUNDS


def _take16(v, idx):
    return v.at[idx].get(mode=_IN_BOUNDS)


def _mod_p(x):
    return jnp.where(x >= P, x - P, x)


def _subcore_id():
    return lax.axis_index("s")


def _sc_body(tokens_hbm, cu_hbm, res_hbm, counts_hbm, stage_hbm,
             chunk, cuv, outv, partial, red, cnt, sem):
    sid = _subcore_id()
    base = sid * CHUNK

    lh = jnp.where(sid == 0, TOTAL - 16, base - 16)
    rh = jnp.where(sid == NSUB - 1, 0, base + CHUNK)
    c0 = pltpu.make_async_copy(
        tokens_hbm.at[pl.ds(base, CHUNK)], chunk.at[pl.ds(16, CHUNK)], sem)
    c1 = pltpu.make_async_copy(
        tokens_hbm.at[pl.ds(lh, 16)], chunk.at[pl.ds(0, 16)], sem)
    c2 = pltpu.make_async_copy(
        tokens_hbm.at[pl.ds(rh, 16)], chunk.at[pl.ds(2048 + 16, 16)], sem)
    c3 = pltpu.make_async_copy(
        cu_hbm.at[pl.ds(0, 16)], cuv.at[pl.ds(0, 16)], sem)
    c0.start()
    c1.start()
    c2.start()
    c3.start()
    c0.wait()
    c1.wait()
    c2.wait()
    c3.wait()

    lane = lax.broadcasted_iota(jnp.int32, (16,), 0)
    cu_lo = cuv[pl.ds(0, 16)]
    cu_hi = jnp.where(lane == 15, TOTAL, cuv[pl.ds(1, 16)])
    zeros = jnp.zeros((16,), jnp.int32)

    def body(k, acc):
        off = 16 + k * 16
        t = chunk[pl.ds(off, 16)]
        tl = chunk[pl.ds(off - 1, 16)]
        tr = chunk[pl.ds(off + 1, 16)]

        l = _mod_p(tl)
        r = _mod_p(tr)
        add_r = _mod_p(l + r)
        d = l - r
        sub_r = jnp.where(d < 0, d + P, d)
        m = l * r
        q = jnp.right_shift(m * 676, 16)
        r0 = m - q * P
        mul_r = jnp.where(r0 < 0, r0 + P, r0)
        opi = t - P
        res = jnp.where(opi == 0, add_r, jnp.where(opi == 1, sub_r, mul_r))
        res = jnp.where(t < P, t, jnp.where(t >= P + 3, t, res))
        outv[pl.ds(k * 16, 16)] = res

        p0 = base + k * 16
        lo = jnp.clip(cu_lo - p0, 0, 16)
        hi = jnp.clip(cu_hi - p0, 0, 16)
        ilo = jnp.maximum(lo - 1, 0)
        ihi = jnp.maximum(hi - 1, 0)
        one = jnp.ones((16,), jnp.int32)
        packed = jnp.where(t < P, one, jnp.where(t < P + 3, one * 65536, 0))
        cs = plsc.cumsum(packed)
        diff = jnp.where(hi > 0, _take16(cs, ihi), 0) - \
            jnp.where(lo > 0, _take16(cs, ilo), 0)
        return acc + diff

    acc = lax.fori_loop(0, NVEC, body, zeros, unroll=8)
    acc_o = jnp.bitwise_and(acc, 0xFFFF)
    acc_p = jnp.right_shift(acc, 16)

    cres = pltpu.make_async_copy(outv, res_hbm.at[pl.ds(base, CHUNK)], sem)
    cres.start()

    partial[0, :] = acc_o
    partial[1, :] = acc_p
    pltpu.sync_copy(partial, stage_hbm.at[sid])
    plsc.subcore_barrier()

    @pl.when(sid == 0)
    def _():
        pltpu.sync_copy(stage_hbm, red)
        ao = jnp.zeros((16,), jnp.int32)
        ap = jnp.zeros((16,), jnp.int32)
        for tix in range(NSUB):
            ao = ao + red[tix, 0, :]
            ap = ap + red[tix, 1, :]
        fo = ao.astype(jnp.float32)
        fp = ap.astype(jnp.float32)
        seg = lax.broadcasted_iota(jnp.int32, (16,), 0)
        plsc.store_scatter(cnt, [seg, zeros], fo)
        plsc.store_scatter(cnt, [seg, zeros + 1], fp)
        plsc.store_scatter(cnt, [seg, zeros + 2], fo + fp)
        pltpu.sync_copy(cnt, counts_hbm)

    cres.wait()


@jax.jit
def _run(tokens, cu_pad):
    mesh = plsc.VectorSubcoreMesh(
        core_axis_name="c", subcore_axis_name="s", num_cores=1)
    kern = pl.kernel(
        _sc_body,
        out_type=[
            jax.ShapeDtypeStruct((TOTAL,), jnp.int32),
            jax.ShapeDtypeStruct((16, 3), jnp.float32),
            jax.ShapeDtypeStruct((NSUB, 2, 16), jnp.int32),
        ],
        mesh=mesh,
        compiler_params=pltpu.CompilerParams(needs_layout_passes=False),
        scratch_types=[
            pltpu.VMEM((CHUNK + 32,), jnp.int32),
            pltpu.VMEM((24,), jnp.int32),
            pltpu.VMEM((CHUNK,), jnp.int32),
            pltpu.VMEM((2, 16), jnp.int32),
            pltpu.VMEM((NSUB, 2, 16), jnp.int32),
            pltpu.VMEM((16, 3), jnp.float32),
            pltpu.SemaphoreType.DMA,
        ],
    )
    return kern(tokens, cu_pad)


def kernel(tokens, cu_seqlens):
    res, counts, _ = _run(tokens, cu_seqlens)
    return res, counts

# --- scband reference (transcript-rebuilt; emitter-appended) ---
"""Pipeline reference for scband-arithmetic-process-17626545782884 (READ-ONLY COPY).

The authoritative reference and input builder live on the scoring server;
editing this copy changes nothing except your own understanding.
"""

import jax, jax.numpy as jnp
import numpy as np

P = 97
NUM_OPS = 3
BATCH = 16
MAX_SEQLEN = 4096
TOTAL = BATCH * MAX_SEQLEN // 2  # 32768
VOCAB = P + NUM_OPS + 4  # digits + operators + EQL/BOE/EOE/PAD = 104


def setup_inputs(seed: int = 0) -> dict:
    key = jax.random.key(seed)
    k1, k2 = jax.random.split(key)
    tokens = jax.random.randint(k1, (TOTAL,), 0, VOCAB, dtype=jnp.int32)
    inner = jnp.sort(jax.random.randint(k2, (BATCH - 1,), 0, TOTAL, dtype=jnp.int32))
    cu_seqlens = jnp.concatenate([jnp.zeros((1,), jnp.int32), inner, jnp.full((1,), TOTAL, jnp.int32)])
    return {"tokens": tokens, "cu_seqlens": cu_seqlens}


def reference(tokens, cu_seqlens):
    p = P
    num_operators = NUM_OPS
    # Faithful translation of ArithmeticProcess predicate methods,
    # vectorized over a ragged flat token stream.
    is_operand = tokens < p                       # ArithmeticProcess.is_operand
    is_op_or_opr = tokens < p + num_operators     # ArithmeticProcess.is_operand_or_operator
    is_operator = is_op_or_opr & (~is_operand)    # ArithmeticProcess.is_operator

    n = tokens.shape[0]
    b = cu_seqlens.shape[0] - 1
    # segment id for each flat token position from cu_seqlens
    seg = jnp.searchsorted(cu_seqlens, jnp.arange(n, dtype=cu_seqlens.dtype), side='right') - 1
    seg = jnp.clip(seg, 0, b - 1)

    masks = jnp.stack([is_operand, is_operator, is_op_or_opr], axis=1).astype(jnp.float32)
    # per-sequence token-class counts (ragged segment reduce)
    counts = jax.ops.segment_sum(masks, seg, num_segments=b)

    # Elementwise application of the operator_function_map (mod-p arithmetic),
    # mirroring the class's operator_functions: ADD, SUB, MUL.
    tm = jnp.mod(tokens, p)
    left = jnp.roll(tm, 1)
    right = jnp.roll(tm, -1)
    add_r = jnp.mod(left + right, p)
    sub_r = jnp.mod(left - right, p)
    mul_r = jnp.mod(left * right, p)
    op_idx = tokens - p  # 0 -> '+', 1 -> '-', 2 -> '*'
    res = jnp.where(op_idx == 0, add_r, jnp.where(op_idx == 1, sub_r, mul_r))
    res = jnp.where(is_operator, res, tokens)
    return res, counts

if __name__ == "__main__":
    import jax
    _d = setup_inputs()
    print(jax.jit(kernel)(*tuple(_d.values())))

</pallas_src>

<mosaic_0001>
#map = affine_map<(d0, d1) -> (0)>
#map1 = affine_map<(d0, d1) -> (0, 0)>
#map2 = affine_map<(d0, d1) -> (0, 0, 0)>
module attributes {stable_mosaic.version = 14 : i64} {
  func.func @_sc_body(%arg0: i32, %arg1: i32, %arg2: memref<32768xi32, #tpu.memory_space<hbm>>, %arg3: memref<17xi32, #tpu.memory_space<hbm>>, %arg4: memref<32768xi32, #tpu.memory_space<hbm>>, %arg5: memref<16x3xf32, #tpu.memory_space<hbm>>, %arg6: memref<16x2x16xi32, #tpu.memory_space<hbm>>, %arg7: memref<2080xi32, #tpu.memory_space<vmem>>, %arg8: memref<24xi32, #tpu.memory_space<vmem>>, %arg9: memref<2048xi32, #tpu.memory_space<vmem>>, %arg10: memref<2x16xi32, #tpu.memory_space<vmem>>, %arg11: memref<16x2x16xi32, #tpu.memory_space<vmem>>, %arg12: memref<16x3xf32, #tpu.memory_space<vmem>>, %arg13: memref<!tpu.dma_semaphore, #tpu.memory_space<semaphore_mem>>) attributes {dimension_semantics = [#tpu.dimension_semantics<core_parallel>, #tpu.dimension_semantics<subcore_parallel>], iteration_bounds = array<i64: 1, 16>, scalar_prefetch = 0 : i64, scratch_operands = 7 : i64, tpu.core_type = #tpu.core_type<sc_vector_subcore>, window_params = [{transform_indices = #map}, {transform_indices = #map}, {transform_indices = #map}, {transform_indices = #map1}, {transform_indices = #map2}]} {
    %mul3A = arith.constant 2048 : i32
    %mul3A_0 = arith.muli %arg1, %mul3A : i32
    %eq3A = arith.constant 0 : i32
    %eq3A_1 = arith.cmpi eq, %arg1, %eq3A : i32
    %sub3A = arith.constant 16 : i32
    %sub3A_2 = arith.subi %mul3A_0, %sub3A : i32
    %jit3A = arith.constant 32752 : i32
    %select_n3A = arith.select %eq3A_1, %jit3A, %sub3A_2 : i32
    %eq3A_3 = arith.constant 15 : i32
    %eq3A_4 = arith.cmpi eq, %arg1, %eq3A_3 : i32
    %add3A = arith.constant 2048 : i32
    %add3A_5 = arith.addi %mul3A_0, %add3A : i32
    %jit3A_6 = arith.constant 0 : i32
    %select_n3A_7 = arith.select %eq3A_4, %jit3A_6, %add3A_5 : i32
    %dma_start3A = arith.constant 16 : i32
    %dma_start3A_8 = tpu.memref_slice %arg7[%dma_start3A] : memref<2080xi32, #tpu.memory_space<vmem>> -> memref<2048xi32, #tpu.memory_space<vmem>>
    %dma_start3A_9 = tpu.memref_slice %arg2[%mul3A_0] : memref<32768xi32, #tpu.memory_space<hbm>> -> memref<2048xi32, #tpu.memory_space<hbm>>
    %dma_start3A_10 = arith.constant 16 : i32
    %dma_start3A_11 = tpu.memref_slice %arg7[%dma_start3A_10] : memref<2080xi32, #tpu.memory_space<vmem>> -> memref<2048xi32, #tpu.memory_space<vmem>>
    %dma_start3A_12 = tpu.memref_slice %arg2[%mul3A_0] : memref<32768xi32, #tpu.memory_space<hbm>> -> memref<2048xi32, #tpu.memory_space<hbm>>
    tpu.enqueue_dma source(%dma_start3A_12 : memref<2048xi32, #tpu.memory_space<hbm>>) target(%dma_start3A_11 : memref<2048xi32, #tpu.memory_space<vmem>>) target_semaphore(%arg13 : memref<!tpu.dma_semaphore, #tpu.memory_space<semaphore_mem>>)
    %dma_start3A_13 = arith.constant 0 : i32
    %dma_start3A_14 = tpu.memref_slice %arg7[%dma_start3A_13] : memref<2080xi32, #tpu.memory_space<vmem>> -> memref<16xi32, #tpu.memory_space<vmem>>
    %dma_start3A_15 = tpu.memref_slice %arg2[%select_n3A] : memref<32768xi32, #tpu.memory_space<hbm>> -> memref<16xi32, #tpu.memory_space<hbm>>
    %dma_start3A_16 = arith.constant 0 : i32
    %dma_start3A_17 = tpu.memref_slice %arg7[%dma_start3A_16] : memref<2080xi32, #tpu.memory_space<vmem>> -> memref<16xi32, #tpu.memory_space<vmem>>
    %dma_start3A_18 = tpu.memref_slice %arg2[%select_n3A] : memref<32768xi32, #tpu.memory_space<hbm>> -> memref<16xi32, #tpu.memory_space<hbm>>
    tpu.enqueue_dma source(%dma_start3A_18 : memref<16xi32, #tpu.memory_space<hbm>>) target(%dma_start3A_17 : memref<16xi32, #tpu.memory_space<vmem>>) target_semaphore(%arg13 : memref<!tpu.dma_semaphore, #tpu.memory_space<semaphore_mem>>)
    %dma_start3A_19 = arith.constant 2064 : i32
    %dma_start3A_20 = tpu.memref_slice %arg7[%dma_start3A_19] : memref<2080xi32, #tpu.memory_space<vmem>> -> memref<16xi32, #tpu.memory_space<vmem>>
    %dma_start3A_21 = tpu.memref_slice %arg2[%select_n3A_7] : memref<32768xi32, #tpu.memory_space<hbm>> -> memref<16xi32, #tpu.memory_space<hbm>>
    %dma_start3A_22 = arith.constant 2064 : i32
    %dma_start3A_23 = tpu.memref_slice %arg7[%dma_start3A_22] : memref<2080xi32, #tpu.memory_space<vmem>> -> memref<16xi32, #tpu.memory_space<vmem>>
    %dma_start3A_24 = tpu.memref_slice %arg2[%select_n3A_7] : memref<32768xi32, #tpu.memory_space<hbm>> -> memref<16xi32, #tpu.memory_space<hbm>>
    tpu.enqueue_dma source(%dma_start3A_24 : memref<16xi32, #tpu.memory_space<hbm>>) target(%dma_start3A_23 : memref<16xi32, #tpu.memory_space<vmem>>) target_semaphore(%arg13 : memref<!tpu.dma_semaphore, #tpu.memory_space<semaphore_mem>>)
    %dma_start3A_25 = arith.constant 0 : i32
    %dma_start3A_26 = tpu.memref_slice %arg8[%dma_start3A_25] : memref<24xi32, #tpu.memory_space<vmem>> -> memref<16xi32, #tpu.memory_space<vmem>>
    %dma_start3A_27 = arith.constant 0 : i32
    %dma_start3A_28 = tpu.memref_slice %arg3[%dma_start3A_27] : memref<17xi32, #tpu.memory_space<hbm>> -> memref<16xi32, #tpu.memory_space<hbm>>
    %dma_start3A_29 = arith.constant 0 : i32
    %dma_start3A_30 = tpu.memref_slice %arg8[%dma_start3A_29] : memref<24xi32, #tpu.memory_space<vmem>> -> memref<16xi32, #tpu.memory_space<vmem>>
    %dma_start3A_31 = arith.constant 0 : i32
    %dma_start3A_32 = tpu.memref_slice %arg3[%dma_start3A_31] : memref<17xi32, #tpu.memory_space<hbm>> -> memref<16xi32, #tpu.memory_space<hbm>>
    tpu.enqueue_dma source(%dma_start3A_32 : memref<16xi32, #tpu.memory_space<hbm>>) target(%dma_start3A_30 : memref<16xi32, #tpu.memory_space<vmem>>) target_semaphore(%arg13 : memref<!tpu.dma_semaphore, #tpu.memory_space<semaphore_mem>>)
    %dma_wait3A = arith.constant 16 : i32
    %dma_wait3A_33 = tpu.memref_slice %arg7[%dma_wait3A] : memref<2080xi32, #tpu.memory_space<vmem>> -> memref<2048xi32, #tpu.memory_space<vmem>>
    %dma_wait3A_34 = tpu.memref_slice %arg2[%mul3A_0] : memref<32768xi32, #tpu.memory_space<hbm>> -> memref<2048xi32, #tpu.memory_space<hbm>>
    %dma_wait3A_35 = arith.constant 16 : i32
    %dma_wait3A_36 = tpu.memref_slice %arg7[%dma_wait3A_35] : memref<2080xi32, #tpu.memory_space<vmem>> -> memref<2048xi32, #tpu.memory_space<vmem>>
    %dma_wait3A_37 = tpu.memref_slice %arg2[%mul3A_0] : memref<32768xi32, #tpu.memory_space<hbm>> -> memref<2048xi32, #tpu.memory_space<hbm>>
    tpu.wait_dma2 semaphore(%arg13 : memref<!tpu.dma_semaphore, #tpu.memory_space<semaphore_mem>>) src(%dma_wait3A_37 : memref<2048xi32, #tpu.memory_space<hbm>>) dst(%dma_wait3A_36 : memref<2048xi32, #tpu.memory_space<vmem>>)
    %dma_wait3A_38 = arith.constant 0 : i32
    %dma_wait3A_39 = tpu.memref_slice %arg7[%dma_wait3A_38] : memref<2080xi32, #tpu.memory_space<vmem>> -> memref<16xi32, #tpu.memory_space<vmem>>
    %dma_wait3A_40 = tpu.memref_slice %arg2[%select_n3A] : memref<32768xi32, #tpu.memory_space<hbm>> -> memref<16xi32, #tpu.memory_space<hbm>>
    %dma_wait3A_41 = arith.constant 0 : i32
    %dma_wait3A_42 = tpu.memref_slice %arg7[%dma_wait3A_41] : memref<2080xi32, #tpu.memory_space<vmem>> -> memref<16xi32, #tpu.memory_space<vmem>>
    %dma_wait3A_43 = tpu.memref_slice %arg2[%select_n3A] : memref<32768xi32, #tpu.memory_space<hbm>> -> memref<16xi32, #tpu.memory_space<hbm>>
    tpu.wait_dma2 semaphore(%arg13 : memref<!tpu.dma_semaphore, #tpu.memory_space<semaphore_mem>>) src(%dma_wait3A_43 : memref<16xi32, #tpu.memory_space<hbm>>) dst(%dma_wait3A_42 : memref<16xi32, #tpu.memory_space<vmem>>)
    %dma_wait3A_44 = arith.constant 2064 : i32
    %dma_wait3A_45 = tpu.memref_slice %arg7[%dma_wait3A_44] : memref<2080xi32, #tpu.memory_space<vmem>> -> memref<16xi32, #tpu.memory_space<vmem>>
    %dma_wait3A_46 = tpu.memref_slice %arg2[%select_n3A_7] : memref<32768xi32, #tpu.memory_space<hbm>> -> memref<16xi32, #tpu.memory_space<hbm>>
    %dma_wait3A_47 = arith.constant 2064 : i32
    %dma_wait3A_48 = tpu.memref_slice %arg7[%dma_wait3A_47] : memref<2080xi32, #tpu.memory_space<vmem>> -> memref<16xi32, #tpu.memory_space<vmem>>
    %dma_wait3A_49 = tpu.memref_slice %arg2[%select_n3A_7] : memref<32768xi32, #tpu.memory_space<hbm>> -> memref<16xi32, #tpu.memory_space<hbm>>
    tpu.wait_dma2 semaphore(%arg13 : memref<!tpu.dma_semaphore, #tpu.memory_space<semaphore_mem>>) src(%dma_wait3A_49 : memref<16xi32, #tpu.memory_space<hbm>>) dst(%dma_wait3A_48 : memref<16xi32, #tpu.memory_space<vmem>>)
    %dma_wait3A_50 = arith.constant 0 : i32
    %dma_wait3A_51 = tpu.memref_slice %arg8[%dma_wait3A_50] : memref<24xi32, #tpu.memory_space<vmem>> -> memref<16xi32, #tpu.memory_space<vmem>>
    %dma_wait3A_52 = arith.constant 0 : i32
    %dma_wait3A_53 = tpu.memref_slice %arg3[%dma_wait3A_52] : memref<17xi32, #tpu.memory_space<hbm>> -> memref<16xi32, #tpu.memory_space<hbm>>
    %dma_wait3A_54 = arith.constant 0 : i32
    %dma_wait3A_55 = tpu.memref_slice %arg8[%dma_wait3A_54] : memref<24xi32, #tpu.memory_space<vmem>> -> memref<16xi32, #tpu.memory_space<vmem>>
    %dma_wait3A_56 = arith.constant 0 : i32
    %dma_wait3A_57 = tpu.memref_slice %arg3[%dma_wait3A_56] : memref<17xi32, #tpu.memory_space<hbm>> -> memref<16xi32, #tpu.memory_space<hbm>>
    tpu.wait_dma2 semaphore(%arg13 : memref<!tpu.dma_semaphore, #tpu.memory_space<semaphore_mem>>) src(%dma_wait3A_57 : memref<16xi32, #tpu.memory_space<hbm>>) dst(%dma_wait3A_55 : memref<16xi32, #tpu.memory_space<vmem>>)
    %iota3A = tpu.iota {dimensions = array<i32: 0>} : vector<16xi32>
    %get3A = arith.constant 0 : index
    %get3A_58 = tpu.vector_load %arg8[%get3A] {strides = array<i32>} : memref<24xi32, #tpu.memory_space<vmem>>, vector<16xi32>,
    %eq3A_59 = arith.constant 15 : i32
    %eq3A_60 = vector.broadcast %eq3A_59 : i32 to vector<16xi32>
    %eq3A_61 = arith.cmpi eq, %iota3A, %eq3A_60 : vector<16xi32>
    %get3A_62 = arith.constant 1 : index
    %get3A_63 = tpu.vector_load %arg8[%get3A_62] {strides = array<i32>} : memref<24xi32, #tpu.memory_space<vmem>>, vector<16xi32>,
    %jit3A_64 = arith.constant 32768 : i32
    %broadcast_in_dim3A = vector.broadcast %jit3A_64 : i32 to vector<16xi32>
    %select_n3A_65 = arith.select %eq3A_61, %broadcast_in_dim3A, %get3A_63 : vector<16xi1>, vector<16xi32>
    %broadcast_in_dim3A_66 = arith.constant 0 : i32
    %broadcast_in_dim3A_67 = vector.broadcast %broadcast_in_dim3A_66 : i32 to vector<16xi32>
    %scan3A = arith.constant 0 : i32
    %scan3A_68 = arith.constant 128 : i32
    %scan3A_69 = arith.addi %scan3A, %scan3A_68 : i32
    %scan3A_70 = arith.constant 8 : i32
    %scan3A_71 = scf.for %scan3A_91 = %scan3A to %scan3A_69 step %scan3A_70 iter_args(%scan3A_92 = %broadcast_in_dim3A_67) -> (vector<16xi32>)  : i32 {
      %mul3A_93 = arith.constant 16 : i32
      %mul3A_94 = arith.muli %scan3A_91, %mul3A_93 : i32
      %add3A_95 = arith.constant 16 : i32
      %add3A_96 = arith.addi %add3A_95, %mul3A_94 : i32
      %get3A_97 = arith.index_cast %add3A_96 : i32 to index
      %get3A_98 = tpu.vector_load %arg7[%get3A_97] {strides = array<i32>} : memref<2080xi32, #tpu.memory_space<vmem>>, vector<16xi32>,
      %sub3A_99 = arith.constant 1 : i32
      %sub3A_100 = arith.subi %add3A_96, %sub3A_99 : i32
      %get3A_101 = arith.index_cast %sub3A_100 : i32 to index
      %get3A_102 = tpu.vector_load %arg7[%get3A_101] {strides = array<i32>} : memref<2080xi32, #tpu.memory_space<vmem>>, vector<16xi32>,
      %add3A_103 = arith.constant 1 : i32
      %add3A_104 = arith.addi %add3A_96, %add3A_103 : i32
      %get3A_105 = arith.index_cast %add3A_104 : i32 to index
      %get3A_106 = tpu.vector_load %arg7[%get3A_105] {strides = array<i32>} : memref<2080xi32, #tpu.memory_space<vmem>>, vector<16xi32>,
      %ge3A = arith.constant 97 : i32
      %ge3A_107 = vector.broadcast %ge3A : i32 to vector<16xi32>
      %ge3A_108 = arith.cmpi sge, %get3A_102, %ge3A_107 : vector<16xi32>
      %sub3A_109 = arith.constant 97 : i32
      %sub3A_110 = vector.broadcast %sub3A_109 : i32 to vector<16xi32>
      %sub3A_111 = arith.subi %get3A_102, %sub3A_110 : vector<16xi32>
      %select_n3A_112 = arith.select %ge3A_108, %sub3A_111, %get3A_102 : vector<16xi1>, vector<16xi32>
      %ge3A_113 = arith.constant 97 : i32
      %ge3A_114 = vector.broadcast %ge3A_113 : i32 to vector<16xi32>
      %ge3A_115 = arith.cmpi sge, %get3A_106, %ge3A_114 : vector<16xi32>
      %sub3A_116 = arith.constant 97 : i32
      %sub3A_117 = vector.broadcast %sub3A_116 : i32 to vector<16xi32>
      %sub3A_118 = arith.subi %get3A_106, %sub3A_117 : vector<16xi32>
      %select_n3A_119 = arith.select %ge3A_115, %sub3A_118, %get3A_106 : vector<16xi1>, vector<16xi32>
      %add3A_120 = arith.addi %select_n3A_112, %select_n3A_119 : vector<16xi32>
      %ge3A_121 = arith.constant 97 : i32
      %ge3A_122 = vector.broadcast %ge3A_121 : i32 to vector<16xi32>
      %ge3A_123 = arith.cmpi sge, %add3A_120, %ge3A_122 : vector<16xi32>
      %sub3A_124 = arith.constant 97 : i32
      %sub3A_125 = vector.broadcast %sub3A_124 : i32 to vector<16xi32>
      %sub3A_126 = arith.subi %add3A_120, %sub3A_125 : vector<16xi32>
      %select_n3A_127 = arith.select %ge3A_123, %sub3A_126, %add3A_120 : vector<16xi1>, vector<16xi32>
      %sub3A_128 = arith.subi %select_n3A_112, %select_n3A_119 : vector<16xi32>
      %lt3A = arith.constant 0 : i32
      %lt3A_129 = vector.broadcast %lt3A : i32 to vector<16xi32>
      %lt3A_130 = arith.cmpi slt, %sub3A_128, %lt3A_129 : vector<16xi32>
      %add3A_131 = arith.constant 97 : i32
      %add3A_132 = vector.broadcast %add3A_131 : i32 to vector<16xi32>
      %add3A_133 = arith.addi %sub3A_128, %add3A_132 : vector<16xi32>
      %select_n3A_134 = arith.select %lt3A_130, %add3A_133, %sub3A_128 : vector<16xi1>, vector<16xi32>
      %mul3A_135 = arith.muli %select_n3A_112, %select_n3A_119 : vector<16xi32>
      %mul3A_136 = arith.constant 676 : i32
      %mul3A_137 = vector.broadcast %mul3A_136 : i32 to vector<16xi32>
      %mul3A_138 = arith.muli %mul3A_135, %mul3A_137 : vector<16xi32>
      %shift_right_arithmetic3A_139 = arith.constant 16 : i32
      %shift_right_arithmetic3A_140 = vector.broadcast %shift_right_arithmetic3A_139 : i32 to vector<16xi32>
      %shift_right_arithmetic3A_141 = arith.shrsi %mul3A_138, %shift_right_arithmetic3A_140 : vector<16xi32>
      %mul3A_142 = arith.constant 97 : i32
      %mul3A_143 = vector.broadcast %mul3A_142 : i32 to vector<16xi32>
      %mul3A_144 = arith.muli %shift_right_arithmetic3A_141, %mul3A_143 : vector<16xi32>
      %sub3A_145 = arith.subi %mul3A_135, %mul3A_144 : vector<16xi32>
      %lt3A_146 = arith.constant 0 : i32
      %lt3A_147 = vector.broadcast %lt3A_146 : i32 to vector<16xi32>
      %lt3A_148 = arith.cmpi slt, %sub3A_145, %lt3A_147 : vector<16xi32>
      %add3A_149 = arith.constant 97 : i32
      %add3A_150 = vector.broadcast %add3A_149 : i32 to vector<16xi32>
      %add3A_151 = arith.addi %sub3A_145, %add3A_150 : vector<16xi32>
      %select_n3A_152 = arith.select %lt3A_148, %add3A_151, %sub3A_145 : vector<16xi1>, vector<16xi32>
      %sub3A_153 = arith.constant 97 : i32
      %sub3A_154 = vector.broadcast %sub3A_153 : i32 to vector<16xi32>
      %sub3A_155 = arith.subi %get3A_98, %sub3A_154 : vector<16xi32>
      %eq3A_156 = arith.constant 0 : i32
      %eq3A_157 = vector.broadcast %eq3A_156 : i32 to vector<16xi32>
      %eq3A_158 = arith.cmpi eq, %sub3A_155, %eq3A_157 : vector<16xi32>
      %eq3A_159 = arith.constant 1 : i32
      %eq3A_160 = vector.broadcast %eq3A_159 : i32 to vector<16xi32>
      %eq3A_161 = arith.cmpi eq, %sub3A_155, %eq3A_160 : vector<16xi32>
      %select_n3A_162 = arith.select %eq3A_161, %select_n3A_134, %select_n3A_152 : vector<16xi1>, vector<16xi32>
      %select_n3A_163 = arith.select %eq3A_158, %select_n3A_127, %select_n3A_162 : vector<16xi1>, vector<16xi32>
      %lt3A_164 = arith.constant 97 : i32
      %lt3A_165 = vector.broadcast %lt3A_164 : i32 to vector<16xi32>
      %lt3A_166 = arith.cmpi slt, %get3A_98, %lt3A_165 : vector<16xi32>
      %ge3A_167 = arith.constant 100 : i32
      %ge3A_168 = vector.broadcast %ge3A_167 : i32 to vector<16xi32>
      %ge3A_169 = arith.cmpi sge, %get3A_98, %ge3A_168 : vector<16xi32>
      %select_n3A_170 = arith.select %ge3A_169, %get3A_98, %select_n3A_163 : vector<16xi1>, vector<16xi32>
      %select_n3A_171 = arith.select %lt3A_166, %get3A_98, %select_n3A_170 : vector<16xi1>, vector<16xi32>
      %mul3A_172 = arith.constant 16 : i32
      %mul3A_173 = arith.muli %scan3A_91, %mul3A_172 : i32
      %swap3A_174 = arith.index_cast %mul3A_173 : i32 to index
      %swap3A_175 = tpu.vector_load %arg9[%swap3A_174] {strides = array<i32>} : memref<2048xi32, #tpu.memory_space<vmem>>, vector<16xi32>,
      tpu.vector_store %arg9[%swap3A_174], %select_n3A_171 {strides = array<i32>} : memref<2048xi32, #tpu.memory_space<vmem>>, vector<16xi32>,
      %mul3A_176 = arith.constant 16 : i32
      %mul3A_177 = arith.muli %scan3A_91, %mul3A_176 : i32
      %add3A_178 = arith.addi %mul3A_0, %mul3A_177 : i32
      %sub3A_179 = vector.broadcast %add3A_178 : i32 to vector<16xi32>
      %sub3A_180 = arith.subi %get3A_58, %sub3A_179 : vector<16xi32>
      %jit3A_181 = arith.constant 0 : i32
      %jit3A_182 = arith.constant 16 : i32
      %max3A = vector.broadcast %jit3A_181 : i32 to vector<16xi32>
      %max3A_183 = arith.maxsi %max3A, %sub3A_180 : vector<16xi32>
      %min3A = vector.broadcast %jit3A_182 : i32 to vector<16xi32>
      %min3A_184 = arith.minsi %min3A, %max3A_183 : vector<16xi32>
      %sub3A_185 = vector.broadcast %add3A_178 : i32 to vector<16xi32>
      %sub3A_186 = arith.subi %select_n3A_65, %sub3A_185 : vector<16xi32>
      %jit3A_187 = arith.constant 0 : i32
      %jit3A_188 = arith.constant 16 : i32
      %max3A_189 = vector.broadcast %jit3A_187 : i32 to vector<16xi32>
      %max3A_190 = arith.maxsi %max3A_189, %sub3A_186 : vector<16xi32>
      %min3A_191 = vector.broadcast %jit3A_188 : i32 to vector<16xi32>
      %min3A_192 = arith.minsi %min3A_191, %max3A_190 : vector<16xi32>
      %sub3A_193 = arith.constant 1 : i32
      %sub3A_194 = vector.broadcast %sub3A_193 : i32 to vector<16xi32>
      %sub3A_195 = arith.subi %min3A_184, %sub3A_194 : vector<16xi32>
      %max3A_196 = arith.constant 0 : i32
      %max3A_197 = vector.broadcast %max3A_196 : i32 to vector<16xi32>
      %max3A_198 = arith.maxsi %sub3A_195, %max3A_197 : vector<16xi32>
      %sub3A_199 = arith.constant 1 : i32
      %sub3A_200 = vector.broadcast %sub3A_199 : i32 to vector<16xi32>
      %sub3A_201 = arith.subi %min3A_192, %sub3A_200 : vector<16xi32>
      %max3A_202 = arith.constant 0 : i32
      %max3A_203 = vector.broadcast %max3A_202 : i32 to vector<16xi32>
      %max3A_204 = arith.maxsi %sub3A_201, %max3A_203 : vector<16xi32>
      %broadcast_in_dim3A_205 = arith.constant 1 : i32
      %broadcast_in_dim3A_206 = vector.broadcast %broadcast_in_dim3A_205 : i32 to vector<16xi32>
      %lt3A_207 = arith.constant 97 : i32
      %lt3A_208 = vector.broadcast %lt3A_207 : i32 to vector<16xi32>
      %lt3A_209 = arith.cmpi slt, %get3A_98, %lt3A_208 : vector<16xi32>
      %lt3A_210 = arith.constant 100 : i32
      %lt3A_211 = vector.broadcast %lt3A_210 : i32 to vector<16xi32>
      %lt3A_212 = arith.cmpi slt, %get3A_98, %lt3A_211 : vector<16xi32>
      %mul3A_213 = arith.constant 65536 : i32
      %mul3A_214 = vector.broadcast %mul3A_213 : i32 to vector<16xi32>
      %mul3A_215 = arith.muli %broadcast_in_dim3A_206, %mul3A_214 : vector<16xi32>
      %jit3A_216 = arith.constant 0 : i32
      %broadcast_in_dim3A_217 = vector.broadcast %jit3A_216 : i32 to vector<16xi32>
      %select_n3A_218 = arith.select %lt3A_212, %mul3A_215, %broadcast_in_dim3A_217 : vector<16xi1>, vector<16xi32>
      %select_n3A_219 = arith.select %lt3A_209, %broadcast_in_dim3A_206, %select_n3A_218 : vector<16xi1>, vector<16xi32>
      %broadcast_in_dim3A_220 = arith.constant true
      %broadcast_in_dim3A_221 = vector.broadcast %broadcast_in_dim3A_220 : i1 to vector<16xi1>
      %masked_cumsum3A = tpu.scan <sum>, %select_n3A_219 masked %broadcast_in_dim3A_221 : vector<16xi32>, vector<16xi1> -> vector<16xi32>
      %gt3A = arith.constant 0 : i32
      %gt3A_222 = vector.broadcast %gt3A : i32 to vector<16xi32>
      %gt3A_223 = arith.cmpi sgt, %min3A_192, %gt3A_222 : vector<16xi32>
      %lt3A_224 = arith.constant 0 : i32
      %lt3A_225 = vector.broadcast %lt3A_224 : i32 to vector<16xi32>
      %lt3A_226 = arith.cmpi slt, %max3A_204, %lt3A_225 : vector<16xi32>
      %add3A_227 = arith.constant 16 : i32
      %add3A_228 = vector.broadcast %add3A_227 : i32 to vector<16xi32>
      %add3A_229 = arith.addi %max3A_204, %add3A_228 : vector<16xi32>
      %select_n3A_230 = arith.select %lt3A_226, %add3A_229, %max3A_204 : vector<16xi1>, vector<16xi32>
      %broadcast_in_dim3A_231 = vector.shape_cast %select_n3A_230 : vector<16xi32> to vector<16x1xi32>
      %gather3A = vector.shape_cast %broadcast_in_dim3A_231 : vector<16x1xi32> to vector<16xi32>
      %gather3A_232 = tpu.dynamic_gather %masked_cumsum3A[%gather3A] in [0] : vector<16xi32>, vector<16xi32> -> vector<16xi32>
      %jit3A_233 = arith.constant 0 : i32
      %broadcast_in_dim3A_234 = vector.broadcast %jit3A_233 : i32 to vector<16xi32>
      %select_n3A_235 = arith.select %gt3A_223, %gather3A_232, %broadcast_in_dim3A_234 : vector<16xi1>, vector<16xi32>
      %gt3A_236 = arith.constant 0 : i32
      %gt3A_237 = vector.broadcast %gt3A_236 : i32 to vector<16xi32>
      %gt3A_238 = arith.cmpi sgt, %min3A_184, %gt3A_237 : vector<16xi32>
      %lt3A_239 = arith.constant 0 : i32
      %lt3A_240 = vector.broadcast %lt3A_239 : i32 to vector<16xi32>
      %lt3A_241 = arith.cmpi slt, %max3A_198, %lt3A_240 : vector<16xi32>
      %add3A_242 = arith.constant 16 : i32
      %add3A_243 = vector.broadcast %add3A_242 : i32 to vector<16xi32>
      %add3A_244 = arith.addi %max3A_198, %add3A_243 : vector<16xi32>
      %select_n3A_245 = arith.select %lt3A_241, %add3A_244, %max3A_198 : vector<16xi1>, vector<16xi32>
      %broadcast_in_dim3A_246 = vector.shape_cast %select_n3A_245 : vector<16xi32> to vector<16x1xi32>
      %gather3A_247 = vector.shape_cast %broadcast_in_dim3A_246 : vector<16x1xi32> to vector<16xi32>
      %gather3A_248 = tpu.dynamic_gather %masked_cumsum3A[%gather3A_247] in [0] : vector<16xi32>, vector<16xi32> -> vector<16xi32>
      %jit3A_249 = arith.constant 0 : i32
      %broadcast_in_dim3A_250 = vector.broadcast %jit3A_249 : i32 to vector<16xi32>
      %select_n3A_251 = arith.select %gt3A_238, %gather3A_248, %broadcast_in_dim3A_250 : vector<16xi1>, vector<16xi32>
      %sub3A_252 = arith.subi %select_n3A_235, %select_n3A_251 : vector<16xi32>
      %add3A_253 = arith.addi %scan3A_92, %sub3A_252 : vector<16xi32>
      %scan3A_254 = arith.constant 1 : i32
      %scan3A_255 = arith.addi %scan3A_91, %scan3A_254 : i32
      %mul3A_256 = arith.constant 16 : i32
      %mul3A_257 = arith.muli %scan3A_255, %mul3A_256 : i32
      %add3A_258 = arith.constant 16 : i32
      %add3A_259 = arith.addi %add3A_258, %mul3A_257 : i32
      %get3A_260 = arith.index_cast %add3A_259 : i32 to index
      %get3A_261 = tpu.vector_load %arg7[%get3A_260] {strides = array<i32>} : memref<2080xi32, #tpu.memory_space<vmem>>, vector<16xi32>,
      %sub3A_262 = arith.constant 1 : i32
      %sub3A_263 = arith.subi %add3A_259, %sub3A_262 : i32
      %get3A_264 = arith.index_cast %sub3A_263 : i32 to index
      %get3A_265 = tpu.vector_load %arg7[%get3A_264] {strides = array<i32>} : memref<2080xi32, #tpu.memory_space<vmem>>, vector<16xi32>,
      %add3A_266 = arith.constant 1 : i32
      %add3A_267 = arith.addi %add3A_259, %add3A_266 : i32
      %get3A_268 = arith.index_cast %add3A_267 : i32 to index
      %get3A_269 = tpu.vector_load %arg7[%get3A_268] {strides = array<i32>} : memref<2080xi32, #tpu.memory_space<vmem>>, vector<16xi32>,
      %ge3A_270 = arith.constant 97 : i32
      %ge3A_271 = vector.broadcast %ge3A_270 : i32 to vector<16xi32>
      %ge3A_272 = arith.cmpi sge, %get3A_265, %ge3A_271 : vector<16xi32>
      %sub3A_273 = arith.constant 97 : i32
      %sub3A_274 = vector.broadcast %sub3A_273 : i32 to vector<16xi32>
      %sub3A_275 = arith.subi %get3A_265, %sub3A_274 : vector<16xi32>
      %select_n3A_276 = arith.select %ge3A_272, %sub3A_275, %get3A_265 : vector<16xi1>, vector<16xi32>
      %ge3A_277 = arith.constant 97 : i32
      %ge3A_278 = vector.broadcast %ge3A_277 : i32 to vector<16xi32>
      %ge3A_279 = arith.cmpi sge, %get3A_269, %ge3A_278 : vector<16xi32>
      %sub3A_280 = arith.constant 97 : i32
      %sub3A_281 = vector.broadcast %sub3A_280 : i32 to vector<16xi32>
      %sub3A_282 = arith.subi %get3A_269, %sub3A_281 : vector<16xi32>
      %select_n3A_283 = arith.select %ge3A_279, %sub3A_282, %get3A_269 : vector<16xi1>, vector<16xi32>
      %add3A_284 = arith.addi %select_n3A_276, %select_n3A_283 : vector<16xi32>
      %ge3A_285 = arith.constant 97 : i32
      %ge3A_286 = vector.broadcast %ge3A_285 : i32 to vector<16xi32>
      %ge3A_287 = arith.cmpi sge, %add3A_284, %ge3A_286 : vector<16xi32>
      %sub3A_288 = arith.constant 97 : i32
      %sub3A_289 = vector.broadcast %sub3A_288 : i32 to vector<16xi32>
      %sub3A_290 = arith.subi %add3A_284, %sub3A_289 : vector<16xi32>
      %select_n3A_291 = arith.select %ge3A_287, %sub3A_290, %add3A_284 : vector<16xi1>, vector<16xi32>
      %sub3A_292 = arith.subi %select_n3A_276, %select_n3A_283 : vector<16xi32>
      %lt3A_293 = arith.constant 0 : i32
      %lt3A_294 = vector.broadcast %lt3A_293 : i32 to vector<16xi32>
      %lt3A_295 = arith.cmpi slt, %sub3A_292, %lt3A_294 : vector<16xi32>
      %add3A_296 = arith.constant 97 : i32
      %add3A_297 = vector.broadcast %add3A_296 : i32 to vector<16xi32>
      %add3A_298 = arith.addi %sub3A_292, %add3A_297 : vector<16xi32>
      %select_n3A_299 = arith.select %lt3A_295, %add3A_298, %sub3A_292 : vector<16xi1>, vector<16xi32>
      %mul3A_300 = arith.muli %select_n3A_276, %select_n3A_283 : vector<16xi32>
      %mul3A_301 = arith.constant 676 : i32
      %mul3A_302 = vector.broadcast %mul3A_301 : i32 to vector<16xi32>
      %mul3A_303 = arith.muli %mul3A_300, %mul3A_302 : vector<16xi32>
      %shift_right_arithmetic3A_304 = arith.constant 16 : i32
      %shift_right_arithmetic3A_305 = vector.broadcast %shift_right_arithmetic3A_304 : i32 to vector<16xi32>
      %shift_right_arithmetic3A_306 = arith.shrsi %mul3A_303, %shift_right_arithmetic3A_305 : vector<16xi32>
      %mul3A_307 = arith.constant 97 : i32
      %mul3A_308 = vector.broadcast %mul3A_307 : i32 to vector<16xi32>
      %mul3A_309 = arith.muli %shift_right_arithmetic3A_306, %mul3A_308 : vector<16xi32>
      %sub3A_310 = arith.subi %mul3A_300, %mul3A_309 : vector<16xi32>
      %lt3A_311 = arith.constant 0 : i32
      %lt3A_312 = vector.broadcast %lt3A_311 : i32 to vector<16xi32>
      %lt3A_313 = arith.cmpi slt, %sub3A_310, %lt3A_312 : vector<16xi32>
      %add3A_314 = arith.constant 97 : i32
      %add3A_315 = vector.broadcast %add3A_314 : i32 to vector<16xi32>
      %add3A_316 = arith.addi %sub3A_310, %add3A_315 : vector<16xi32>
      %select_n3A_317 = arith.select %lt3A_313, %add3A_316, %sub3A_310 : vector<16xi1>, vector<16xi32>
      %sub3A_318 = arith.constant 97 : i32
      %sub3A_319 = vector.broadcast %sub3A_318 : i32 to vector<16xi32>
      %sub3A_320 = arith.subi %get3A_261, %sub3A_319 : vector<16xi32>
      %eq3A_321 = arith.constant 0 : i32
      %eq3A_322 = vector.broadcast %eq3A_321 : i32 to vector<16xi32>
      %eq3A_323 = arith.cmpi eq, %sub3A_320, %eq3A_322 : vector<16xi32>
      %eq3A_324 = arith.constant 1 : i32
      %eq3A_325 = vector.broadcast %eq3A_324 : i32 to vector<16xi32>
      %eq3A_326 = arith.cmpi eq, %sub3A_320, %eq3A_325 : vector<16xi32>
      %select_n3A_327 = arith.select %eq3A_326, %select_n3A_299, %select_n3A_317 : vector<16xi1>, vector<16xi32>
      %select_n3A_328 = arith.select %eq3A_323, %select_n3A_291, %select_n3A_327 : vector<16xi1>, vector<16xi32>
      %lt3A_329 = arith.constant 97 : i32
      %lt3A_330 = vector.broadcast %lt3A_329 : i32 to vector<16xi32>
      %lt3A_331 = arith.cmpi slt, %get3A_261, %lt3A_330 : vector<16xi32>
      %ge3A_332 = arith.constant 100 : i32
      %ge3A_333 = vector.broadcast %ge3A_332 : i32 to vector<16xi32>
      %ge3A_334 = arith.cmpi sge, %get3A_261, %ge3A_333 : vector<16xi32>
      %select_n3A_335 = arith.select %ge3A_334, %get3A_261, %select_n3A_328 : vector<16xi1>, vector<16xi32>
      %select_n3A_336 = arith.select %lt3A_331, %get3A_261, %select_n3A_335 : vector<16xi1>, vector<16xi32>
      %mul3A_337 = arith.constant 16 : i32
      %mul3A_338 = arith.muli %scan3A_255, %mul3A_337 : i32
      %swap3A_339 = arith.index_cast %mul3A_338 : i32 to index
      %swap3A_340 = tpu.vector_load %arg9[%swap3A_339] {strides = array<i32>} : memref<2048xi32, #tpu.memory_space<vmem>>, vector<16xi32>,
      tpu.vector_store %arg9[%swap3A_339], %select_n3A_336 {strides = array<i32>} : memref<2048xi32, #tpu.memory_space<vmem>>, vector<16xi32>,
      %mul3A_341 = arith.constant 16 : i32
      %mul3A_342 = arith.muli %scan3A_255, %mul3A_341 : i32
      %add3A_343 = arith.addi %mul3A_0, %mul3A_342 : i32
      %sub3A_344 = vector.broadcast %add3A_343 : i32 to vector<16xi32>
      %sub3A_345 = arith.subi %get3A_58, %sub3A_344 : vector<16xi32>
      %jit3A_346 = arith.constant 0 : i32
      %jit3A_347 = arith.constant 16 : i32
      %max3A_348 = vector.broadcast %jit3A_346 : i32 to vector<16xi32>
      %max3A_349 = arith.maxsi %max3A_348, %sub3A_345 : vector<16xi32>
      %min3A_350 = vector.broadcast %jit3A_347 : i32 to vector<16xi32>
      %min3A_351 = arith.minsi %min3A_350, %max3A_349 : vector<16xi32>
      %sub3A_352 = vector.broadcast %add3A_343 : i32 to vector<16xi32>
      %sub3A_353 = arith.subi %select_n3A_65, %sub3A_352 : vector<16xi32>
      %jit3A_354 = arith.constant 0 : i32
      %jit3A_355 = arith.constant 16 : i32
      %max3A_356 = vector.broadcast %jit3A_354 : i32 to vector<16xi32>
      %max3A_357 = arith.maxsi %max3A_356, %sub3A_353 : vector<16xi32>
      %min3A_358 = vector.broadcast %jit3A_355 : i32 to vector<16xi32>
      %min3A_359 = arith.minsi %min3A_358, %max3A_357 : vector<16xi32>
      %sub3A_360 = arith.constant 1 : i32
      %sub3A_361 = vector.broadcast %sub3A_360 : i32 to vector<16xi32>
      %sub3A_362 = arith.subi %min3A_351, %sub3A_361 : vector<16xi32>
      %max3A_363 = arith.constant 0 : i32
      %max3A_364 = vector.broadcast %max3A_363 : i32 to vector<16xi32>
      %max3A_365 = arith.maxsi %sub3A_362, %max3A_364 : vector<16xi32>
      %sub3A_366 = arith.constant 1 : i32
      %sub3A_367 = vector.broadcast %sub3A_366 : i32 to vector<16xi32>
      %sub3A_368 = arith.subi %min3A_359, %sub3A_367 : vector<16xi32>
      %max3A_369 = arith.constant 0 : i32
      %max3A_370 = vector.broadcast %max3A_369 : i32 to vector<16xi32>
      %max3A_371 = arith.maxsi %sub3A_368, %max3A_370 : vector<16xi32>
      %broadcast_in_dim3A_372 = arith.constant 1 : i32
      %broadcast_in_dim3A_373 = vector.broadcast %broadcast_in_dim3A_372 : i32 to vector<16xi32>
      %lt3A_374 = arith.constant 97 : i32
      %lt3A_375 = vector.broadcast %lt3A_374 : i32 to vector<16xi32>
      %lt3A_376 = arith.cmpi slt, %get3A_261, %lt3A_375 : vector<16xi32>
      %lt3A_377 = arith.constant 100 : i32
      %lt3A_378 = vector.broadcast %lt3A_377 : i32 to vector<16xi32>
      %lt3A_379 = arith.cmpi slt, %get3A_261, %lt3A_378 : vector<16xi32>
      %mul3A_380 = arith.constant 65536 : i32
      %mul3A_381 = vector.broadcast %mul3A_380 : i32 to vector<16xi32>
      %mul3A_382 = arith.muli %broadcast_in_dim3A_373, %mul3A_381 : vector<16xi32>
      %jit3A_383 = arith.constant 0 : i32
      %broadcast_in_dim3A_384 = vector.broadcast %jit3A_383 : i32 to vector<16xi32>
      %select_n3A_385 = arith.select %lt3A_379, %mul3A_382, %broadcast_in_dim3A_384 : vector<16xi1>, vector<16xi32>
      %select_n3A_386 = arith.select %lt3A_376, %broadcast_in_dim3A_373, %select_n3A_385 : vector<16xi1>, vector<16xi32>
      %broadcast_in_dim3A_387 = arith.constant true
      %broadcast_in_dim3A_388 = vector.broadcast %broadcast_in_dim3A_387 : i1 to vector<16xi1>
      %masked_cumsum3A_389 = tpu.scan <sum>, %select_n3A_386 masked %broadcast_in_dim3A_388 : vector<16xi32>, vector<16xi1> -> vector<16xi32>
      %gt3A_390 = arith.constant 0 : i32
      %gt3A_391 = vector.broadcast %gt3A_390 : i32 to vector<16xi32>
      %gt3A_392 = arith.cmpi sgt, %min3A_359, %gt3A_391 : vector<16xi32>
      %lt3A_393 = arith.constant 0 : i32
      %lt3A_394 = vector.broadcast %lt3A_393 : i32 to vector<16xi32>
      %lt3A_395 = arith.cmpi slt, %max3A_371, %lt3A_394 : vector<16xi32>
      %add3A_396 = arith.constant 16 : i32
      %add3A_397 = vector.broadcast %add3A_396 : i32 to vector<16xi32>
      %add3A_398 = arith.addi %max3A_371, %add3A_397 : vector<16xi32>
      %select_n3A_399 = arith.select %lt3A_395, %add3A_398, %max3A_371 : vector<16xi1>, vector<16xi32>
      %broadcast_in_dim3A_400 = vector.shape_cast %select_n3A_399 : vector<16xi32> to vector<16x1xi32>
      %gather3A_401 = vector.shape_cast %broadcast_in_dim3A_400 : vector<16x1xi32> to vector<16xi32>
      %gather3A_402 = tpu.dynamic_gather %masked_cumsum3A_389[%gather3A_401] in [0] : vector<16xi32>, vector<16xi32> -> vector<16xi32>
      %jit3A_403 = arith.constant 0 : i32
      %broadcast_in_dim3A_404 = vector.broadcast %jit3A_403 : i32 to vector<16xi32>
      %select_n3A_405 = arith.select %gt3A_392, %gather3A_402, %broadcast_in_dim3A_404 : vector<16xi1>, vector<16xi32>
      %gt3A_406 = arith.constant 0 : i32
      %gt3A_407 = vector.broadcast %gt3A_406 : i32 to vector<16xi32>
      %gt3A_408 = arith.cmpi sgt, %min3A_351, %gt3A_407 : vector<16xi32>
      %lt3A_409 = arith.constant 0 : i32
      %lt3A_410 = vector.broadcast %lt3A_409 : i32 to vector<16xi32>
      %lt3A_411 = arith.cmpi slt, %max3A_365, %lt3A_410 : vector<16xi32>
      %add3A_412 = arith.constant 16 : i32
      %add3A_413 = vector.broadcast %add3A_412 : i32 to vector<16xi32>
      %add3A_414 = arith.addi %max3A_365, %add3A_413 : vector<16xi32>
      %select_n3A_415 = arith.select %lt3A_411, %add3A_414, %max3A_365 : vector<16xi1>, vector<16xi32>
      %broadcast_in_dim3A_416 = vector.shape_cast %select_n3A_415 : vector<16xi32> to vector<16x1xi32>
      %gather3A_417 = vector.shape_cast %broadcast_in_dim3A_416 : vector<16x1xi32> to vector<16xi32>
      %gather3A_418 = tpu.dynamic_gather %masked_cumsum3A_389[%gather3A_417] in [0] : vector<16xi32>, vector<16xi32> -> vector<16xi32>
      %jit3A_419 = arith.constant 0 : i32
      %broadcast_in_dim3A_420 = vector.broadcast %jit3A_419 : i32 to vector<16xi32>
      %select_n3A_421 = arith.select %gt3A_408, %gather3A_418, %broadcast_in_dim3A_420 : vector<16xi1>, vector<16xi32>
      %sub3A_422 = arith.subi %select_n3A_405, %select_n3A_421 : vector<16xi32>
      %add3A_423 = arith.addi %add3A_253, %sub3A_422 : vector<16xi32>
      %scan3A_424 = arith.constant 2 : i32
      %scan3A_425 = arith.addi %scan3A_91, %scan3A_424 : i32
      %mul3A_426 = arith.constant 16 : i32
      %mul3A_427 = arith.muli %scan3A_425, %mul3A_426 : i32
      %add3A_428 = arith.constant 16 : i32
      %add3A_429 = arith.addi %add3A_428, %mul3A_427 : i32
      %get3A_430 = arith.index_cast %add3A_429 : i32 to index
      %get3A_431 = tpu.vector_load %arg7[%get3A_430] {strides = array<i32>} : memref<2080xi32, #tpu.memory_space<vmem>>, vector<16xi32>,
      %sub3A_432 = arith.constant 1 : i32
      %sub3A_433 = arith.subi %add3A_429, %sub3A_432 : i32
      %get3A_434 = arith.index_cast %sub3A_433 : i32 to index
      %get3A_435 = tpu.vector_load %arg7[%get3A_434] {strides = array<i32>} : memref<2080xi32, #tpu.memory_space<vmem>>, vector<16xi32>,
      %add3A_436 = arith.constant 1 : i32
      %add3A_437 = arith.addi %add3A_429, %add3A_436 : i32
      %get3A_438 = arith.index_cast %add3A_437 : i32 to index
      %get3A_439 = tpu.vector_load %arg7[%get3A_438] {strides = array<i32>} : memref<2080xi32, #tpu.memory_space<vmem>>, vector<16xi32>,
      %ge3A_440 = arith.constant 97 : i32
      %ge3A_441 = vector.broadcast %ge3A_440 : i32 to vector<16xi32>
      %ge3A_442 = arith.cmpi sge, %get3A_435, %ge3A_441 : vector<16xi32>
      %sub3A_443 = arith.constant 97 : i32
      %sub3A_444 = vector.broadcast %sub3A_443 : i32 to vector<16xi32>
      %sub3A_445 = arith.subi %get3A_435, %sub3A_444 : vector<16xi32>
      %select_n3A_446 = arith.select %ge3A_442, %sub3A_445, %get3A_435 : vector<16xi1>, vector<16xi32>
      %ge3A_447 = arith.constant 97 : i32
      %ge3A_448 = vector.broadcast %ge3A_447 : i32 to vector<16xi32>
      %ge3A_449 = arith.cmpi sge, %get3A_439, %ge3A_448 : vector<16xi32>
      %sub3A_450 = arith.constant 97 : i32
      %sub3A_451 = vector.broadcast %sub3A_450 : i32 to vector<16xi32>
      %sub3A_452 = arith.subi %get3A_439, %sub3A_451 : vector<16xi32>
      %select_n3A_453 = arith.select %ge3A_449, %sub3A_452, %get3A_439 : vector<16xi1>, vector<16xi32>
      %add3A_454 = arith.addi %select_n3A_446, %select_n3A_453 : vector<16xi32>
      %ge3A_455 = arith.constant 97 : i32
      %ge3A_456 = vector.broadcast %ge3A_455 : i32 to vector<16xi32>
      %ge3A_457 = arith.cmpi sge, %add3A_454, %ge3A_456 : vector<16xi32>
      %sub3A_458 = arith.constant 97 : i32
      %sub3A_459 = vector.broadcast %sub3A_458 : i32 to vector<16xi32>
      %sub3A_460 = arith.subi %add3A_454, %sub3A_459 : vector<16xi32>
      %select_n3A_461 = arith.select %ge3A_457, %sub3A_460, %add3A_454 : vector<16xi1>, vector<16xi32>
      %sub3A_462 = arith.subi %select_n3A_446, %select_n3A_453 : vector<16xi32>
      %lt3A_463 = arith.constant 0 : i32
      %lt3A_464 = vector.broadcast %lt3A_463 : i32 to vector<16xi32>
      %lt3A_465 = arith.cmpi slt, %sub3A_462, %lt3A_464 : vector<16xi32>
      %add3A_466 = arith.constant 97 : i32
      %add3A_467 = vector.broadcast %add3A_466 : i32 to vector<16xi32>
      %add3A_468 = arith.addi %sub3A_462, %add3A_467 : vector<16xi32>
      %select_n3A_469 = arith.select %lt3A_465, %add3A_468, %sub3A_462 : vector<16xi1>, vector<16xi32>
      %mul3A_470 = arith.muli %select_n3A_446, %select_n3A_453 : vector<16xi32>
      %mul3A_471 = arith.constant 676 : i32
      %mul3A_472 = vector.broadcast %mul3A_471 : i32 to vector<16xi32>
      %mul3A_473 = arith.muli %mul3A_470, %mul3A_472 : vector<16xi32>
      %shift_right_arithmetic3A_474 = arith.constant 16 : i32
      %shift_right_arithmetic3A_475 = vector.broadcast %shift_right_arithmetic3A_474 : i32 to vector<16xi32>
      %shift_right_arithmetic3A_476 = arith.shrsi %mul3A_473, %shift_right_arithmetic3A_475 : vector<16xi32>
      %mul3A_477 = arith.constant 97 : i32
      %mul3A_478 = vector.broadcast %mul3A_477 : i32 to vector<16xi32>
      %mul3A_479 = arith.muli %shift_right_arithmetic3A_476, %mul3A_478 : vector<16xi32>
      %sub3A_480 = arith.subi %mul3A_470, %mul3A_479 : vector<16xi32>
      %lt3A_481 = arith.constant 0 : i32
      %lt3A_482 = vector.broadcast %lt3A_481 : i32 to vector<16xi32>
      %lt3A_483 = arith.cmpi slt, %sub3A_480, %lt3A_482 : vector<16xi32>
      %add3A_484 = arith.constant 97 : i32
      %add3A_485 = vector.broadcast %add3A_484 : i32 to vector<16xi32>
      %add3A_486 = arith.addi %sub3A_480, %add3A_485 : vector<16xi32>
      %select_n3A_487 = arith.select %lt3A_483, %add3A_486, %sub3A_480 : vector<16xi1>, vector<16xi32>
      %sub3A_488 = arith.constant 97 : i32
      %sub3A_489 = vector.broadcast %sub3A_488 : i32 to vector<16xi32>
      %sub3A_490 = arith.subi %get3A_431, %sub3A_489 : vector<16xi32>
      %eq3A_491 = arith.constant 0 : i32
      %eq3A_492 = vector.broadcast %eq3A_491 : i32 to vector<16xi32>
      %eq3A_493 = arith.cmpi eq, %sub3A_490, %eq3A_492 : vector<16xi32>
      %eq3A_494 = arith.constant 1 : i32
      %eq3A_495 = vector.broadcast %eq3A_494 : i32 to vector<16xi32>
      %eq3A_496 = arith.cmpi eq, %sub3A_490, %eq3A_495 : vector<16xi32>
      %select_n3A_497 = arith.select %eq3A_496, %select_n3A_469, %select_n3A_487 : vector<16xi1>, vector<16xi32>
      %select_n3A_498 = arith.select %eq3A_493, %select_n3A_461, %select_n3A_497 : vector<16xi1>, vector<16xi32>
      %lt3A_499 = arith.constant 97 : i32
      %lt3A_500 = vector.broadcast %lt3A_499 : i32 to vector<16xi32>
      %lt3A_501 = arith.cmpi slt, %get3A_431, %lt3A_500 : vector<16xi32>
      %ge3A_502 = arith.constant 100 : i32
      %ge3A_503 = vector.broadcast %ge3A_502 : i32 to vector<16xi32>
      %ge3A_504 = arith.cmpi sge, %get3A_431, %ge3A_503 : vector<16xi32>
      %select_n3A_505 = arith.select %ge3A_504, %get3A_431, %select_n3A_498 : vector<16xi1>, vector<16xi32>
      %select_n3A_506 = arith.select %lt3A_501, %get3A_431, %select_n3A_505 : vector<16xi1>, vector<16xi32>
      %mul3A_507 = arith.constant 16 : i32
      %mul3A_508 = arith.muli %scan3A_425, %mul3A_507 : i32
      %swap3A_509 = arith.index_cast %mul3A_508 : i32 to index
      %swap3A_510 = tpu.vector_load %arg9[%swap3A_509] {strides = array<i32>} : memref<2048xi32, #tpu.memory_space<vmem>>, vector<16xi32>,
      tpu.vector_store %arg9[%swap3A_509], %select_n3A_506 {strides = array<i32>} : memref<2048xi32, #tpu.memory_space<vmem>>, vector<16xi32>,
      %mul3A_511 = arith.constant 16 : i32
      %mul3A_512 = arith.muli %scan3A_425, %mul3A_511 : i32
      %add3A_513 = arith.addi %mul3A_0, %mul3A_512 : i32
      %sub3A_514 = vector.broadcast %add3A_513 : i32 to vector<16xi32>
      %sub3A_515 = arith.subi %get3A_58, %sub3A_514 : vector<16xi32>
      %jit3A_516 = arith.constant 0 : i32
      %jit3A_517 = arith.constant 16 : i32
      %max3A_518 = vector.broadcast %jit3A_516 : i32 to vector<16xi32>
      %max3A_519 = arith.maxsi %max3A_518, %sub3A_515 : vector<16xi32>
      %min3A_520 = vector.broadcast %jit3A_517 : i32 to vector<16xi32>
      %min3A_521 = arith.minsi %min3A_520, %max3A_519 : vector<16xi32>
      %sub3A_522 = vector.broadcast %add3A_513 : i32 to vector<16xi32>
      %sub3A_523 = arith.subi %select_n3A_65, %sub3A_522 : vector<16xi32>
      %jit3A_524 = arith.constant 0 : i32
      %jit3A_525 = arith.constant 16 : i32
      %max3A_526 = vector.broadcast %jit3A_524 : i32 to vector<16xi32>
      %max3A_527 = arith.maxsi %max3A_526, %sub3A_523 : vector<16xi32>
      %min3A_528 = vector.broadcast %jit3A_525 : i32 to vector<16xi32>
      %min3A_529 = arith.minsi %min3A_528, %max3A_527 : vector<16xi32>
      %sub3A_530 = arith.constant 1 : i32
      %sub3A_531 = vector.broadcast %sub3A_530 : i32 to vector<16xi32>
      %sub3A_532 = arith.subi %min3A_521, %sub3A_531 : vector<16xi32>
      %max3A_533 = arith.constant 0 : i32
      %max3A_534 = vector.broadcast %max3A_533 : i32 to vector<16xi32>
      %max3A_535 = arith.maxsi %sub3A_532, %max3A_534 : vector<16xi32>
      %sub3A_536 = arith.constant 1 : i32
      %sub3A_537 = vector.broadcast %sub3A_536 : i32 to vector<16xi32>
      %sub3A_538 = arith.subi %min3A_529, %sub3A_537 : vector<16xi32>
      %max3A_539 = arith.constant 0 : i32
      %max3A_540 = vector.broadcast %max3A_539 : i32 to vector<16xi32>
      %max3A_541 = arith.maxsi %sub3A_538, %max3A_540 : vector<16xi32>
      %broadcast_in_dim3A_542 = arith.constant 1 : i32
      %broadcast_in_dim3A_543 = vector.broadcast %broadcast_in_dim3A_542 : i32 to vector<16xi32>
      %lt3A_544 = arith.constant 97 : i32
      %lt3A_545 = vector.broadcast %lt3A_544 : i32 to vector<16xi32>
      %lt3A_546 = arith.cmpi slt, %get3A_431, %lt3A_545 : vector<16xi32>
      %lt3A_547 = arith.constant 100 : i32
      %lt3A_548 = vector.broadcast %lt3A_547 : i32 to vector<16xi32>
      %lt3A_549 = arith.cmpi slt, %get3A_431, %lt3A_548 : vector<16xi32>
      %mul3A_550 = arith.constant 65536 : i32
      %mul3A_551 = vector.broadcast %mul3A_550 : i32 to vector<16xi32>
      %mul3A_552 = arith.muli %broadcast_in_dim3A_543, %mul3A_551 : vector<16xi32>
      %jit3A_553 = arith.constant 0 : i32
      %broadcast_in_dim3A_554 = vector.broadcast %jit3A_553 : i32 to vector<16xi32>
      %select_n3A_555 = arith.select %lt3A_549, %mul3A_552, %broadcast_in_dim3A_554 : vector<16xi1>, vector<16xi32>
      %select_n3A_556 = arith.select %lt3A_546, %broadcast_in_dim3A_543, %select_n3A_555 : vector<16xi1>, vector<16xi32>
      %broadcast_in_dim3A_557 = arith.constant true
      %broadcast_in_dim3A_558 = vector.broadcast %broadcast_in_dim3A_557 : i1 to vector<16xi1>
      %masked_cumsum3A_559 = tpu.scan <sum>, %select_n3A_556 masked %broadcast_in_dim3A_558 : vector<16xi32>, vector<16xi1> -> vector<16xi32>
      %gt3A_560 = arith.constant 0 : i32
      %gt3A_561 = vector.broadcast %gt3A_560 : i32 to vector<16xi32>
      %gt3A_562 = arith.cmpi sgt, %min3A_529, %gt3A_561 : vector<16xi32>
      %lt3A_563 = arith.constant 0 : i32
      %lt3A_564 = vector.broadcast %lt3A_563 : i32 to vector<16xi32>
      %lt3A_565 = arith.cmpi slt, %max3A_541, %lt3A_564 : vector<16xi32>
      %add3A_566 = arith.constant 16 : i32
      %add3A_567 = vector.broadcast %add3A_566 : i32 to vector<16xi32>
      %add3A_568 = arith.addi %max3A_541, %add3A_567 : vector<16xi32>
      %select_n3A_569 = arith.select %lt3A_565, %add3A_568, %max3A_541 : vector<16xi1>, vector<16xi32>
      %broadcast_in_dim3A_570 = vector.shape_cast %select_n3A_569 : vector<16xi32> to vector<16x1xi32>
      %gather3A_571 = vector.shape_cast %broadcast_in_dim3A_570 : vector<16x1xi32> to vector<16xi32>
      %gather3A_572 = tpu.dynamic_gather %masked_cumsum3A_559[%gather3A_571] in [0] : vector<16xi32>, vector<16xi32> -> vector<16xi32>
      %jit3A_573 = arith.constant 0 : i32
      %broadcast_in_dim3A_574 = vector.broadcast %jit3A_573 : i32 to vector<16xi32>
      %select_n3A_575 = arith.select %gt3A_562, %gather3A_572, %broadcast_in_dim3A_574 : vector<16xi1>, vector<16xi32>
      %gt3A_576 = arith.constant 0 : i32
      %gt3A_577 = vector.broadcast %gt3A_576 : i32 to vector<16xi32>
      %gt3A_578 = arith.cmpi sgt, %min3A_521, %gt3A_577 : vector<16xi32>
      %lt3A_579 = arith.constant 0 : i32
      %lt3A_580 = vector.broadcast %lt3A_579 : i32 to vector<16xi32>
      %lt3A_581 = arith.cmpi slt, %max3A_535, %lt3A_580 : vector<16xi32>
      %add3A_582 = arith.constant 16 : i32
      %add3A_583 = vector.broadcast %add3A_582 : i32 to vector<16xi32>
      %add3A_584 = arith.addi %max3A_535, %add3A_583 : vector<16xi32>
      %select_n3A_585 = arith.select %lt3A_581, %add3A_584, %max3A_535 : vector<16xi1>, vector<16xi32>
      %broadcast_in_dim3A_586 = vector.shape_cast %select_n3A_585 : vector<16xi32> to vector<16x1xi32>
      %gather3A_587 = vector.shape_cast %broadcast_in_dim3A_586 : vector<16x1xi32> to vector<16xi32>
      %gather3A_588 = tpu.dynamic_gather %masked_cumsum3A_559[%gather3A_587] in [0] : vector<16xi32>, vector<16xi32> -> vector<16xi32>
      %jit3A_589 = arith.constant 0 : i32
      %broadcast_in_dim3A_590 = vector.broadcast %jit3A_589 : i32 to vector<16xi32>
      %select_n3A_591 = arith.select %gt3A_578, %gather3A_588, %broadcast_in_dim3A_590 : vector<16xi1>, vector<16xi32>
      %sub3A_592 = arith.subi %select_n3A_575, %select_n3A_591 : vector<16xi32>
      %add3A_593 = arith.addi %add3A_423, %sub3A_592 : vector<16xi32>
      %scan3A_594 = arith.constant 3 : i32
      %scan3A_595 = arith.addi %scan3A_91, %scan3A_594 : i32
      %mul3A_596 = arith.constant 16 : i32
      %mul3A_597 = arith.muli %scan3A_595, %mul3A_596 : i32
      %add3A_598 = arith.constant 16 : i32
      %add3A_599 = arith.addi %add3A_598, %mul3A_597 : i32
      %get3A_600 = arith.index_cast %add3A_599 : i32 to index
      %get3A_601 = tpu.vector_load %arg7[%get3A_600] {strides = array<i32>} : memref<2080xi32, #tpu.memory_space<vmem>>, vector<16xi32>,
      %sub3A_602 = arith.constant 1 : i32
      %sub3A_603 = arith.subi %add3A_599, %sub3A_602 : i32
      %get3A_604 = arith.index_cast %sub3A_603 : i32 to index
      %get3A_605 = tpu.vector_load %arg7[%get3A_604] {strides = array<i32>} : memref<2080xi32, #tpu.memory_space<vmem>>, vector<16xi32>,
      %add3A_606 = arith.constant 1 : i32
      %add3A_607 = arith.addi %add3A_599, %add3A_606 : i32
      %get3A_608 = arith.index_cast %add3A_607 : i32 to index
      %get3A_609 = tpu.vector_load %arg7[%get3A_608] {strides = array<i32>} : memref<2080xi32, #tpu.memory_space<vmem>>, vector<16xi32>,
      %ge3A_610 = arith.constant 97 : i32
      %ge3A_611 = vector.broadcast %ge3A_610 : i32 to vector<16xi32>
      %ge3A_612 = arith.cmpi sge, %get3A_605, %ge3A_611 : vector<16xi32>
      %sub3A_613 = arith.constant 97 : i32
      %sub3A_614 = vector.broadcast %sub3A_613 : i32 to vector<16xi32>
      %sub3A_615 = arith.subi %get3A_605, %sub3A_614 : vector<16xi32>
      %select_n3A_616 = arith.select %ge3A_612, %sub3A_615, %get3A_605 : vector<16xi1>, vector<16xi32>
      %ge3A_617 = arith.constant 97 : i32
      %ge3A_618 = vector.broadcast %ge3A_617 : i32 to vector<16xi32>
      %ge3A_619 = arith.cmpi sge, %get3A_609, %ge3A_618 : vector<16xi32>
      %sub3A_620 = arith.constant 97 : i32
      %sub3A_621 = vector.broadcast %sub3A_620 : i32 to vector<16xi32>
      %sub3A_622 = arith.subi %get3A_609, %sub3A_621 : vector<16xi32>
      %select_n3A_623 = arith.select %ge3A_619, %sub3A_622, %get3A_609 : vector<16xi1>, vector<16xi32>
      %add3A_624 = arith.addi %select_n3A_616, %select_n3A_623 : vector<16xi32>
      %ge3A_625 = arith.constant 97 : i32
      %ge3A_626 = vector.broadcast %ge3A_625 : i32 to vector<16xi32>
      %ge3A_627 = arith.cmpi sge, %add3A_624, %ge3A_626 : vector<16xi32>
      %sub3A_628 = arith.constant 97 : i32
      %sub3A_629 = vector.broadcast %sub3A_628 : i32 to vector<16xi32>
      %sub3A_630 = arith.subi %add3A_624, %sub3A_629 : vector<16xi32>
      %select_n3A_631 = arith.select %ge3A_627, %sub3A_630, %add3A_624 : vector<16xi1>, vector<16xi32>
      %sub3A_632 = arith.subi %select_n3A_616, %select_n3A_623 : vector<16xi32>
      %lt3A_633 = arith.constant 0 : i32
      %lt3A_634 = vector.broadcast %lt3A_633 : i32 to vector<16xi32>
      %lt3A_635 = arith.cmpi slt, %sub3A_632, %lt3A_634 : vector<16xi32>
      %add3A_636 = arith.constant 97 : i32
      %add3A_637 = vector.broadcast %add3A_636 : i32 to vector<16xi32>
      %add3A_638 = arith.addi %sub3A_632, %add3A_637 : vector<16xi32>
      %select_n3A_639 = arith.select %lt3A_635, %add3A_638, %sub3A_632 : vector<16xi1>, vector<16xi32>
      %mul3A_640 = arith.muli %select_n3A_616, %select_n3A_623 : vector<16xi32>
      %mul3A_641 = arith.constant 676 : i32
      %mul3A_642 = vector.broadcast %mul3A_641 : i32 to vector<16xi32>
      %mul3A_643 = arith.muli %mul3A_640, %mul3A_642 : vector<16xi32>
      %shift_right_arithmetic3A_644 = arith.constant 16 : i32
      %shift_right_arithmetic3A_645 = vector.broadcast %shift_right_arithmetic3A_644 : i32 to vector<16xi32>
      %shift_right_arithmetic3A_646 = arith.shrsi %mul3A_643, %shift_right_arithmetic3A_645 : vector<16xi32>
      %mul3A_647 = arith.constant 97 : i32
      %mul3A_648 = vector.broadcast %mul3A_647 : i32 to vector<16xi32>
      %mul3A_649 = arith.muli %shift_right_arithmetic3A_646, %mul3A_648 : vector<16xi32>
      %sub3A_650 = arith.subi %mul3A_640, %mul3A_649 : vector<16xi32>
      %lt3A_651 = arith.constant 0 : i32
      %lt3A_652 = vector.broadcast %lt3A_651 : i32 to vector<16xi32>
      %lt3A_653 = arith.cmpi slt, %sub3A_650, %lt3A_652 : vector<16xi32>
      %add3A_654 = arith.constant 97 : i32
      %add3A_655 = vector.broadcast %add3A_654 : i32 to vector<16xi32>
      %add3A_656 = arith.addi %sub3A_650, %add3A_655 : vector<16xi32>
      %select_n3A_657 = arith.select %lt3A_653, %add3A_656, %sub3A_650 : vector<16xi1>, vector<16xi32>
      %sub3A_658 = arith.constant 97 : i32
      %sub3A_659 = vector.broadcast %sub3A_658 : i32 to vector<16xi32>
      %sub3A_660 = arith.subi %get3A_601, %sub3A_659 : vector<16xi32>
      %eq3A_661 = arith.constant 0 : i32
      %eq3A_662 = vector.broadcast %eq3A_661 : i32 to vector<16xi32>
      %eq3A_663 = arith.cmpi eq, %sub3A_660, %eq3A_662 : vector<16xi32>
      %eq3A_664 = arith.constant 1 : i32
      %eq3A_665 = vector.broadcast %eq3A_664 : i32 to vector<16xi32>
      %eq3A_666 = arith.cmpi eq, %sub3A_660, %eq3A_665 : vector<16xi32>
      %select_n3A_667 = arith.select %eq3A_666, %select_n3A_639, %select_n3A_657 : vector<16xi1>, vector<16xi32>
      %select_n3A_668 = arith.select %eq3A_663, %select_n3A_631, %select_n3A_667 : vector<16xi1>, vector<16xi32>
      %lt3A_669 = arith.constant 97 : i32
      %lt3A_670 = vector.broadcast %lt3A_669 : i32 to vector<16xi32>
      %lt3A_671 = arith.cmpi slt, %get3A_601, %lt3A_670 : vector<16xi32>
      %ge3A_672 = arith.constant 100 : i32
      %ge3A_673 = vector.broadcast %ge3A_672 : i32 to vector<16xi32>
      %ge3A_674 = arith.cmpi sge, %get3A_601, %ge3A_673 : vector<16xi32>
      %select_n3A_675 = arith.select %ge3A_674, %get3A_601, %select_n3A_668 : vector<16xi1>, vector<16xi32>
      %select_n3A_676 = arith.select %lt3A_671, %get3A_601, %select_n3A_675 : vector<16xi1>, vector<16xi32>
      %mul3A_677 = arith.constant 16 : i32
      %mul3A_678 = arith.muli %scan3A_595, %mul3A_677 : i32
      %swap3A_679 = arith.index_cast %mul3A_678 : i32 to index
      %swap3A_680 = tpu.vector_load %arg9[%swap3A_679] {strides = array<i32>} : memref<2048xi32, #tpu.memory_space<vmem>>, vector<16xi32>,
      tpu.vector_store %arg9[%swap3A_679], %select_n3A_676 {strides = array<i32>} : memref<2048xi32, #tpu.memory_space<vmem>>, vector<16xi32>,
      %mul3A_681 = arith.constant 16 : i32
      %mul3A_682 = arith.muli %scan3A_595, %mul3A_681 : i32
      %add3A_683 = arith.addi %mul3A_0, %mul3A_682 : i32
      %sub3A_684 = vector.broadcast %add3A_683 : i32 to vector<16xi32>
      %sub3A_685 = arith.subi %get3A_58, %sub3A_684 : vector<16xi32>
      %jit3A_686 = arith.constant 0 : i32
      %jit3A_687 = arith.constant 16 : i32
      %max3A_688 = vector.broadcast %jit3A_686 : i32 to vector<16xi32>
      %max3A_689 = arith.maxsi %max3A_688, %sub3A_685 : vector<16xi32>
      %min3A_690 = vector.broadcast %jit3A_687 : i32 to vector<16xi32>
      %min3A_691 = arith.minsi %min3A_690, %max3A_689 : vector<16xi32>
      %sub3A_692 = vector.broadcast %add3A_683 : i32 to vector<16xi32>
      %sub3A_693 = arith.subi %select_n3A_65, %sub3A_692 : vector<16xi32>
      %jit3A_694 = arith.constant 0 : i32
      %jit3A_695 = arith.constant 16 : i32
      %max3A_696 = vector.broadcast %jit3A_694 : i32 to vector<16xi32>
      %max3A_697 = arith.maxsi %max3A_696, %sub3A_693 : vector<16xi32>
      %min3A_698 = vector.broadcast %jit3A_695 : i32 to vector<16xi32>
      %min3A_699 = arith.minsi %min3A_698, %max3A_697 : vector<16xi32>
      %sub3A_700 = arith.constant 1 : i32
      %sub3A_701 = vector.broadcast %sub3A_700 : i32 to vector<16xi32>
      %sub3A_702 = arith.subi %min3A_691, %sub3A_701 : vector<16xi32>
      %max3A_703 = arith.constant 0 : i32
      %max3A_704 = vector.broadcast %max3A_703 : i32 to vector<16xi32>
      %max3A_705 = arith.maxsi %sub3A_702, %max3A_704 : vector<16xi32>
      %sub3A_706 = arith.constant 1 : i32
      %sub3A_707 = vector.broadcast %sub3A_706 : i32 to vector<16xi32>
      %sub3A_708 = arith.subi %min3A_699, %sub3A_707 : vector<16xi32>
      %max3A_709 = arith.constant 0 : i32
      %max3A_710 = vector.broadcast %max3A_709 : i32 to vector<16xi32>
      %max3A_711 = arith.maxsi %sub3A_708, %max3A_710 : vector<16xi32>
      %broadcast_in_dim3A_712 = arith.constant 1 : i32
      %broadcast_in_dim3A_713 = vector.broadcast %broadcast_in_dim3A_712 : i32 to vector<16xi32>
      %lt3A_714 = arith.constant 97 : i32
      %lt3A_715 = vector.broadcast %lt3A_714 : i32 to vector<16xi32>
      %lt3A_716 = arith.cmpi slt, %get3A_601, %lt3A_715 : vector<16xi32>
      %lt3A_717 = arith.constant 100 : i32
      %lt3A_718 = vector.broadcast %lt3A_717 : i32 to vector<16xi32>
      %lt3A_719 = arith.cmpi slt, %get3A_601, %lt3A_718 : vector<16xi32>
      %mul3A_720 = arith.constant 65536 : i32
      %mul3A_721 = vector.broadcast %mul3A_720 : i32 to vector<16xi32>
      %mul3A_722 = arith.muli %broadcast_in_dim3A_713, %mul3A_721 : vector<16xi32>
      %jit3A_723 = arith.constant 0 : i32
      %broadcast_in_dim3A_724 = vector.broadcast %jit3A_723 : i32 to vector<16xi32>
      %select_n3A_725 = arith.select %lt3A_719, %mul3A_722, %broadcast_in_dim3A_724 : vector<16xi1>, vector<16xi32>
      %select_n3A_726 = arith.select %lt3A_716, %broadcast_in_dim3A_713, %select_n3A_725 : vector<16xi1>, vector<16xi32>
      %broadcast_in_dim3A_727 = arith.constant true
      %broadcast_in_dim3A_728 = vector.broadcast %broadcast_in_dim3A_727 : i1 to vector<16xi1>
      %masked_cumsum3A_729 = tpu.scan <sum>, %select_n3A_726 masked %broadcast_in_dim3A_728 : vector<16xi32>, vector<16xi1> -> vector<16xi32>
      %gt3A_730 = arith.constant 0 : i32
      %gt3A_731 = vector.broadcast %gt3A_730 : i32 to vector<16xi32>
      %gt3A_732 = arith.cmpi sgt, %min3A_699, %gt3A_731 : vector<16xi32>
      %lt3A_733 = arith.constant 0 : i32
      %lt3A_734 = vector.broadcast %lt3A_733 : i32 to vector<16xi32>
      %lt3A_735 = arith.cmpi slt, %max3A_711, %lt3A_734 : vector<16xi32>
      %add3A_736 = arith.constant 16 : i32
      %add3A_737 = vector.broadcast %add3A_736 : i32 to vector<16xi32>
      %add3A_738 = arith.addi %max3A_711, %add3A_737 : vector<16xi32>
      %select_n3A_739 = arith.select %lt3A_735, %add3A_738, %max3A_711 : vector<16xi1>, vector<16xi32>
      %broadcast_in_dim3A_740 = vector.shape_cast %select_n3A_739 : vector<16xi32> to vector<16x1xi32>
      %gather3A_741 = vector.shape_cast %broadcast_in_dim3A_740 : vector<16x1xi32> to vector<16xi32>
      %gather3A_742 = tpu.dynamic_gather %masked_cumsum3A_729[%gather3A_741] in [0] : vector<16xi32>, vector<16xi32> -> vector<16xi32>
      %jit3A_743 = arith.constant 0 : i32
      %broadcast_in_dim3A_744 = vector.broadcast %jit3A_743 : i32 to vector<16xi32>
      %select_n3A_745 = arith.select %gt3A_732, %gather3A_742, %broadcast_in_dim3A_744 : vector<16xi1>, vector<16xi32>
      %gt3A_746 = arith.constant 0 : i32
      %gt3A_747 = vector.broadcast %gt3A_746 : i32 to vector<16xi32>
      %gt3A_748 = arith.cmpi sgt, %min3A_691, %gt3A_747 : vector<16xi32>
      %lt3A_749 = arith.constant 0 : i32
      %lt3A_750 = vector.broadcast %lt3A_749 : i32 to vector<16xi32>
      %lt3A_751 = arith.cmpi slt, %max3A_705, %lt3A_750 : vector<16xi32>
      %add3A_752 = arith.constant 16 : i32
      %add3A_753 = vector.broadcast %add3A_752 : i32 to vector<16xi32>
      %add3A_754 = arith.addi %max3A_705, %add3A_753 : vector<16xi32>
      %select_n3A_755 = arith.select %lt3A_751, %add3A_754, %max3A_705 : vector<16xi1>, vector<16xi32>
      %broadcast_in_dim3A_756 = vector.shape_cast %select_n3A_755 : vector<16xi32> to vector<16x1xi32>
      %gather3A_757 = vector.shape_cast %broadcast_in_dim3A_756 : vector<16x1xi32> to vector<16xi32>
      %gather3A_758 = tpu.dynamic_gather %masked_cumsum3A_729[%gather3A_757] in [0] : vector<16xi32>, vector<16xi32> -> vector<16xi32>
      %jit3A_759 = arith.constant 0 : i32
      %broadcast_in_dim3A_760 = vector.broadcast %jit3A_759 : i32 to vector<16xi32>
      %select_n3A_761 = arith.select %gt3A_748, %gather3A_758, %broadcast_in_dim3A_760 : vector<16xi1>, vector<16xi32>
      %sub3A_762 = arith.subi %select_n3A_745, %select_n3A_761 : vector<16xi32>
      %add3A_763 = arith.addi %add3A_593, %sub3A_762 : vector<16xi32>
      %scan3A_764 = arith.constant 4 : i32
      %scan3A_765 = arith.addi %scan3A_91, %scan3A_764 : i32
      %mul3A_766 = arith.constant 16 : i32
      %mul3A_767 = arith.muli %scan3A_765, %mul3A_766 : i32
      %add3A_768 = arith.constant 16 : i32
      %add3A_769 = arith.addi %add3A_768, %mul3A_767 : i32
      %get3A_770 = arith.index_cast %add3A_769 : i32 to index
      %get3A_771 = tpu.vector_load %arg7[%get3A_770] {strides = array<i32>} : memref<2080xi32, #tpu.memory_space<vmem>>, vector<16xi32>,
      %sub3A_772 = arith.constant 1 : i32
      %sub3A_773 = arith.subi %add3A_769, %sub3A_772 : i32
      %get3A_774 = arith.index_cast %sub3A_773 : i32 to index
      %get3A_775 = tpu.vector_load %arg7[%get3A_774] {strides = array<i32>} : memref<2080xi32, #tpu.memory_space<vmem>>, vector<16xi32>,
      %add3A_776 = arith.constant 1 : i32
      %add3A_777 = arith.addi %add3A_769, %add3A_776 : i32
      %get3A_778 = arith.index_cast %add3A_777 : i32 to index
      %get3A_779 = tpu.vector_load %arg7[%get3A_778] {strides = array<i32>} : memref<2080xi32, #tpu.memory_space<vmem>>, vector<16xi32>,
      %ge3A_780 = arith.constant 97 : i32
      %ge3A_781 = vector.broadcast %ge3A_780 : i32 to vector<16xi32>
      %ge3A_782 = arith.cmpi sge, %get3A_775, %ge3A_781 : vector<16xi32>
      %sub3A_783 = arith.constant 97 : i32
      %sub3A_784 = vector.broadcast %sub3A_783 : i32 to vector<16xi32>
      %sub3A_785 = arith.subi %get3A_775, %sub3A_784 : vector<16xi32>
      %select_n3A_786 = arith.select %ge3A_782, %sub3A_785, %get3A_775 : vector<16xi1>, vector<16xi32>
      %ge3A_787 = arith.constant 97 : i32
      %ge3A_788 = vector.broadcast %ge3A_787 : i32 to vector<16xi32>
      %ge3A_789 = arith.cmpi sge, %get3A_779, %ge3A_788 : vector<16xi32>
      %sub3A_790 = arith.constant 97 : i32
      %sub3A_791 = vector.broadcast %sub3A_790 : i32 to vector<16xi32>
      %sub3A_792 = arith.subi %get3A_779, %sub3A_791 : vector<16xi32>
      %select_n3A_793 = arith.select %ge3A_789, %sub3A_792, %get3A_779 : vector<16xi1>, vector<16xi32>
      %add3A_794 = arith.addi %select_n3A_786, %select_n3A_793 : vector<16xi32>
      %ge3A_795 = arith.constant 97 : i32
      %ge3A_796 = vector.broadcast %ge3A_795 : i32 to vector<16xi32>
      %ge3A_797 = arith.cmpi sge, %add3A_794, %ge3A_796 : vector<16xi32>
      %sub3A_798 = arith.constant 97 : i32
      %sub3A_799 = vector.broadcast %sub3A_798 : i32 to vector<16xi32>
      %sub3A_800 = arith.subi %add3A_794, %sub3A_799 : vector<16xi32>
      %select_n3A_801 = arith.select %ge3A_797, %sub3A_800, %add3A_794 : vector<16xi1>, vector<16xi32>
      %sub3A_802 = arith.subi %select_n3A_786, %select_n3A_793 : vector<16xi32>
      %lt3A_803 = arith.constant 0 : i32
      %lt3A_804 = vector.broadcast %lt3A_803 : i32 to vector<16xi32>
      %lt3A_805 = arith.cmpi slt, %sub3A_802, %lt3A_804 : vector<16xi32>
      %add3A_806 = arith.constant 97 : i32
      %add3A_807 = vector.broadcast %add3A_806 : i32 to vector<16xi32>
      %add3A_808 = arith.addi %sub3A_802, %add3A_807 : vector<16xi32>
      %select_n3A_809 = arith.select %lt3A_805, %add3A_808, %sub3A_802 : vector<16xi1>, vector<16xi32>
      %mul3A_810 = arith.muli %select_n3A_786, %select_n3A_793 : vector<16xi32>
      %mul3A_811 = arith.constant 676 : i32
      %mul3A_812 = vector.broadcast %mul3A_811 : i32 to vector<16xi32>
      %mul3A_813 = arith.muli %mul3A_810, %mul3A_812 : vector<16xi32>
      %shift_right_arithmetic3A_814 = arith.constant 16 : i32
      %shift_right_arithmetic3A_815 = vector.broadcast %shift_right_arithmetic3A_814 : i32 to vector<16xi32>
      %shift_right_arithmetic3A_816 = arith.shrsi %mul3A_813, %shift_right_arithmetic3A_815 : vector<16xi32>
      %mul3A_817 = arith.constant 97 : i32
      %mul3A_818 = vector.broadcast %mul3A_817 : i32 to vector<16xi32>
      %mul3A_819 = arith.muli %shift_right_arithmetic3A_816, %mul3A_818 : vector<16xi32>
      %sub3A_820 = arith.subi %mul3A_810, %mul3A_819 : vector<16xi32>
      %lt3A_821 = arith.constant 0 : i32
      %lt3A_822 = vector.broadcast %lt3A_821 : i32 to vector<16xi32>
      %lt3A_823 = arith.cmpi slt, %sub3A_820, %lt3A_822 : vector<16xi32>
      %add3A_824 = arith.constant 97 : i32
      %add3A_825 = vector.broadcast %add3A_824 : i32 to vector<16xi32>
      %add3A_826 = arith.addi %sub3A_820, %add3A_825 : vector<16xi32>
      %select_n3A_827 = arith.select %lt3A_823, %add3A_826, %sub3A_820 : vector<16xi1>, vector<16xi32>
      %sub3A_828 = arith.constant 97 : i32
      %sub3A_829 = vector.broadcast %sub3A_828 : i32 to vector<16xi32>
      %sub3A_830 = arith.subi %get3A_771, %sub3A_829 : vector<16xi32>
      %eq3A_831 = arith.constant 0 : i32
      %eq3A_832 = vector.broadcast %eq3A_831 : i32 to vector<16xi32>
      %eq3A_833 = arith.cmpi eq, %sub3A_830, %eq3A_832 : vector<16xi32>
      %eq3A_834 = arith.constant 1 : i32
      %eq3A_835 = vector.broadcast %eq3A_834 : i32 to vector<16xi32>
      %eq3A_836 = arith.cmpi eq, %sub3A_830, %eq3A_835 : vector<16xi32>
      %select_n3A_837 = arith.select %eq3A_836, %select_n3A_809, %select_n3A_827 : vector<16xi1>, vector<16xi32>
      %select_n3A_838 = arith.select %eq3A_833, %select_n3A_801, %select_n3A_837 : vector<16xi1>, vector<16xi32>
      %lt3A_839 = arith.constant 97 : i32
      %lt3A_840 = vector.broadcast %lt3A_839 : i32 to vector<16xi32>
      %lt3A_841 = arith.cmpi slt, %get3A_771, %lt3A_840 : vector<16xi32>
      %ge3A_842 = arith.constant 100 : i32
      %ge3A_843 = vector.broadcast %ge3A_842 : i32 to vector<16xi32>
      %ge3A_844 = arith.cmpi sge, %get3A_771, %ge3A_843 : vector<16xi32>
      %select_n3A_845 = arith.select %ge3A_844, %get3A_771, %select_n3A_838 : vector<16xi1>, vector<16xi32>
      %select_n3A_846 = arith.select %lt3A_841, %get3A_771, %select_n3A_845 : vector<16xi1>, vector<16xi32>
      %mul3A_847 = arith.constant 16 : i32
      %mul3A_848 = arith.muli %scan3A_765, %mul3A_847 : i32
      %swap3A_849 = arith.index_cast %mul3A_848 : i32 to index
      %swap3A_850 = tpu.vector_load %arg9[%swap3A_849] {strides = array<i32>} : memref<2048xi32, #tpu.memory_space<vmem>>, vector<16xi32>,
      tpu.vector_store %arg9[%swap3A_849], %select_n3A_846 {strides = array<i32>} : memref<2048xi32, #tpu.memory_space<vmem>>, vector<16xi32>,
      %mul3A_851 = arith.constant 16 : i32
      %mul3A_852 = arith.muli %scan3A_765, %mul3A_851 : i32
      %add3A_853 = arith.addi %mul3A_0, %mul3A_852 : i32
      %sub3A_854 = vector.broadcast %add3A_853 : i32 to vector<16xi32>
      %sub3A_855 = arith.subi %get3A_58, %sub3A_854 : vector<16xi32>
      %jit3A_856 = arith.constant 0 : i32
      %jit3A_857 = arith.constant 16 : i32
      %max3A_858 = vector.broadcast %jit3A_856 : i32 to vector<16xi32>
      %max3A_859 = arith.maxsi %max3A_858, %sub3A_855 : vector<16xi32>
      %min3A_860 = vector.broadcast %jit3A_857 : i32 to vector<16xi32>
      %min3A_861 = arith.minsi %min3A_860, %max3A_859 : vector<16xi32>
      %sub3A_862 = vector.broadcast %add3A_853 : i32 to vector<16xi32>
      %sub3A_863 = arith.subi %select_n3A_65, %sub3A_862 : vector<16xi32>
      %jit3A_864 = arith.constant 0 : i32
      %jit3A_865 = arith.constant 16 : i32
      %max3A_866 = vector.broadcast %jit3A_864 : i32 to vector<16xi32>
      %max3A_867 = arith.maxsi %max3A_866, %sub3A_863 : vector<16xi32>
      %min3A_868 = vector.broadcast %jit3A_865 : i32 to vector<16xi32>
      %min3A_869 = arith.minsi %min3A_868, %max3A_867 : vector<16xi32>
      %sub3A_870 = arith.constant 1 : i32
      %sub3A_871 = vector.broadcast %sub3A_870 : i32 to vector<16xi32>
      %sub3A_872 = arith.subi %min3A_861, %sub3A_871 : vector<16xi32>
      %max3A_873 = arith.constant 0 : i32
      %max3A_874 = vector.broadcast %max3A_873 : i32 to vector<16xi32>
      %max3A_875 = arith.maxsi %sub3A_872, %max3A_874 : vector<16xi32>
      %sub3A_876 = arith.constant 1 : i32
      %sub3A_877 = vector.broadcast %sub3A_876 : i32 to vector<16xi32>
      %sub3A_878 = arith.subi %min3A_869, %sub3A_877 : vector<16xi32>
      %max3A_879 = arith.constant 0 : i32
      %max3A_880 = vector.broadcast %max3A_879 : i32 to vector<16xi32>
      %max3A_881 = arith.maxsi %sub3A_878, %max3A_880 : vector<16xi32>
      %broadcast_in_dim3A_882 = arith.constant 1 : i32
      %broadcast_in_dim3A_883 = vector.broadcast %broadcast_in_dim3A_882 : i32 to vector<16xi32>
      %lt3A_884 = arith.constant 97 : i32
      %lt3A_885 = vector.broadcast %lt3A_884 : i32 to vector<16xi32>
      %lt3A_886 = arith.cmpi slt, %get3A_771, %lt3A_885 : vector<16xi32>
      %lt3A_887 = arith.constant 100 : i32
      %lt3A_888 = vector.broadcast %lt3A_887 : i32 to vector<16xi32>
      %lt3A_889 = arith.cmpi slt, %get3A_771, %lt3A_888 : vector<16xi32>
      %mul3A_890 = arith.constant 65536 : i32
      %mul3A_891 = vector.broadcast %mul3A_890 : i32 to vector<16xi32>
      %mul3A_892 = arith.muli %broadcast_in_dim3A_883, %mul3A_891 : vector<16xi32>
      %jit3A_893 = arith.constant 0 : i32
      %broadcast_in_dim3A_894 = vector.broadcast %jit3A_893 : i32 to vector<16xi32>
      %select_n3A_895 = arith.select %lt3A_889, %mul3A_892, %broadcast_in_dim3A_894 : vector<16xi1>, vector<16xi32>
      %select_n3A_896 = arith.select %lt3A_886, %broadcast_in_dim3A_883, %select_n3A_895 : vector<16xi1>, vector<16xi32>
      %broadcast_in_dim3A_897 = arith.constant true
      %broadcast_in_dim3A_898 = vector.broadcast %broadcast_in_dim3A_897 : i1 to vector<16xi1>
      %masked_cumsum3A_899 = tpu.scan <sum>, %select_n3A_896 masked %broadcast_in_dim3A_898 : vector<16xi32>, vector<16xi1> -> vector<16xi32>
      %gt3A_900 = arith.constant 0 : i32
      %gt3A_901 = vector.broadcast %gt3A_900 : i32 to vector<16xi32>
      %gt3A_902 = arith.cmpi sgt, %min3A_869, %gt3A_901 : vector<16xi32>
      %lt3A_903 = arith.constant 0 : i32
      %lt3A_904 = vector.broadcast %lt3A_903 : i32 to vector<16xi32>
      %lt3A_905 = arith.cmpi slt, %max3A_881, %lt3A_904 : vector<16xi32>
      %add3A_906 = arith.constant 16 : i32
      %add3A_907 = vector.broadcast %add3A_906 : i32 to vector<16xi32>
      %add3A_908 = arith.addi %max3A_881, %add3A_907 : vector<16xi32>
      %select_n3A_909 = arith.select %lt3A_905, %add3A_908, %max3A_881 : vector<16xi1>, vector<16xi32>
      %broadcast_in_dim3A_910 = vector.shape_cast %select_n3A_909 : vector<16xi32> to vector<16x1xi32>
      %gather3A_911 = vector.shape_cast %broadcast_in_dim3A_910 : vector<16x1xi32> to vector<16xi32>
      %gather3A_912 = tpu.dynamic_gather %masked_cumsum3A_899[%gather3A_911] in [0] : vector<16xi32>, vector<16xi32> -> vector<16xi32>
      %jit3A_913 = arith.constant 0 : i32
      %broadcast_in_dim3A_914 = vector.broadcast %jit3A_913 : i32 to vector<16xi32>
      %select_n3A_915 = arith.select %gt3A_902, %gather3A_912, %broadcast_in_dim3A_914 : vector<16xi1>, vector<16xi32>
      %gt3A_916 = arith.constant 0 : i32
      %gt3A_917 = vector.broadcast %gt3A_916 : i32 to vector<16xi32>
      %gt3A_918 = arith.cmpi sgt, %min3A_861, %gt3A_917 : vector<16xi32>
      %lt3A_919 = arith.constant 0 : i32
      %lt3A_920 = vector.broadcast %lt3A_919 : i32 to vector<16xi32>
      %lt3A_921 = arith.cmpi slt, %max3A_875, %lt3A_920 : vector<16xi32>
      %add3A_922 = arith.constant 16 : i32
      %add3A_923 = vector.broadcast %add3A_922 : i32 to vector<16xi32>
      %add3A_924 = arith.addi %max3A_875, %add3A_923 : vector<16xi32>
      %select_n3A_925 = arith.select %lt3A_921, %add3A_924, %max3A_875 : vector<16xi1>, vector<16xi32>
      %broadcast_in_dim3A_926 = vector.shape_cast %select_n3A_925 : vector<16xi32> to vector<16x1xi32>
      %gather3A_927 = vector.shape_cast %broadcast_in_dim3A_926 : vector<16x1xi32> to vector<16xi32>
      %gather3A_928 = tpu.dynamic_gather %masked_cumsum3A_899[%gather3A_927] in [0] : vector<16xi32>, vector<16xi32> -> vector<16xi32>
      %jit3A_929 = arith.constant 0 : i32
      %broadcast_in_dim3A_930 = vector.broadcast %jit3A_929 : i32 to vector<16xi32>
      %select_n3A_931 = arith.select %gt3A_918, %gather3A_928, %broadcast_in_dim3A_930 : vector<16xi1>, vector<16xi32>
      %sub3A_932 = arith.subi %select_n3A_915, %select_n3A_931 : vector<16xi32>
      %add3A_933 = arith.addi %add3A_763, %sub3A_932 : vector<16xi32>
      %scan3A_934 = arith.constant 5 : i32
      %scan3A_935 = arith.addi %scan3A_91, %scan3A_934 : i32
      %mul3A_936 = arith.constant 16 : i32
      %mul3A_937 = arith.muli %scan3A_935, %mul3A_936 : i32
      %add3A_938 = arith.constant 16 : i32
      %add3A_939 = arith.addi %add3A_938, %mul3A_937 : i32
      %get3A_940 = arith.index_cast %add3A_939 : i32 to index
      %get3A_941 = tpu.vector_load %arg7[%get3A_940] {strides = array<i32>} : memref<2080xi32, #tpu.memory_space<vmem>>, vector<16xi32>,
      %sub3A_942 = arith.constant 1 : i32
      %sub3A_943 = arith.subi %add3A_939, %sub3A_942 : i32
      %get3A_944 = arith.index_cast %sub3A_943 : i32 to index
      %get3A_945 = tpu.vector_load %arg7[%get3A_944] {strides = array<i32>} : memref<2080xi32, #tpu.memory_space<vmem>>, vector<16xi32>,
      %add3A_946 = arith.constant 1 : i32
      %add3A_947 = arith.addi %add3A_939, %add3A_946 : i32
      %get3A_948 = arith.index_cast %add3A_947 : i32 to index
      %get3A_949 = tpu.vector_load %arg7[%get3A_948] {strides = array<i32>} : memref<2080xi32, #tpu.memory_space<vmem>>, vector<16xi32>,
      %ge3A_950 = arith.constant 97 : i32
      %ge3A_951 = vector.broadcast %ge3A_950 : i32 to vector<16xi32>
      %ge3A_952 = arith.cmpi sge, %get3A_945, %ge3A_951 : vector<16xi32>
      %sub3A_953 = arith.constant 97 : i32
      %sub3A_954 = vector.broadcast %sub3A_953 : i32 to vector<16xi32>
      %sub3A_955 = arith.subi %get3A_945, %sub3A_954 : vector<16xi32>
      %select_n3A_956 = arith.select %ge3A_952, %sub3A_955, %get3A_945 : vector<16xi1>, vector<16xi32>
      %ge3A_957 = arith.constant 97 : i32
      %ge3A_958 = vector.broadcast %ge3A_957 : i32 to vector<16xi32>
      %ge3A_959 = arith.cmpi sge, %get3A_949, %ge3A_958 : vector<16xi32>
      %sub3A_960 = arith.constant 97 : i32
      %sub3A_961 = vector.broadcast %sub3A_960 : i32 to vector<16xi32>
      %sub3A_962 = arith.subi %get3A_949, %sub3A_961 : vector<16xi32>
      %select_n3A_963 = arith.select %ge3A_959, %sub3A_962, %get3A_949 : vector<16xi1>, vector<16xi32>
      %add3A_964 = arith.addi %select_n3A_956, %select_n3A_963 : vector<16xi32>
      %ge3A_965 = arith.constant 97 : i32
      %ge3A_966 = vector.broadcast %ge3A_965 : i32 to vector<16xi32>
      %ge3A_967 = arith.cmpi sge, %add3A_964, %ge3A_966 : vector<16xi32>
      %sub3A_968 = arith.constant 97 : i32
      %sub3A_969 = vector.broadcast %sub3A_968 : i32 to vector<16xi32>
      %sub3A_970 = arith.subi %add3A_964, %sub3A_969 : vector<16xi32>
      %select_n3A_971 = arith.select %ge3A_967, %sub3A_970, %add3A_964 : vector<16xi1>, vector<16xi32>
      %sub3A_972 = arith.subi %select_n3A_956, %select_n3A_963 : vector<16xi32>
      %lt3A_973 = arith.constant 0 : i32
      %lt3A_974 = vector.broadcast %lt3A_973 : i32 to vector<16xi32>
      %lt3A_975 = arith.cmpi slt, %sub3A_972, %lt3A_974 : vector<16xi32>
      %add3A_976 = arith.constant 97 : i32
      %add3A_977 = vector.broadcast %add3A_976 : i32 to vector<16xi32>
      %add3A_978 = arith.addi %sub3A_972, %add3A_977 : vector<16xi32>
      %select_n3A_979 = arith.select %lt3A_975, %add3A_978, %sub3A_972 : vector<16xi1>, vector<16xi32>
      %mul3A_980 = arith.muli %select_n3A_956, %select_n3A_963 : vector<16xi32>
      %mul3A_981 = arith.constant 676 : i32
      %mul3A_982 = vector.broadcast %mul3A_981 : i32 to vector<16xi32>
      %mul3A_983 = arith.muli %mul3A_980, %mul3A_982 : vector<16xi32>
      %shift_right_arithmetic3A_984 = arith.constant 16 : i32
      %shift_right_arithmetic3A_985 = vector.broadcast %shift_right_arithmetic3A_984 : i32 to vector<16xi32>
      %shift_right_arithmetic3A_986 = arith.shrsi %mul3A_983, %shift_right_arithmetic3A_985 : vector<16xi32>
      %mul3A_987 = arith.constant 97 : i32
      %mul3A_988 = vector.broadcast %mul3A_987 : i32 to vector<16xi32>
      %mul3A_989 = arith.muli %shift_right_arithmetic3A_986, %mul3A_988 : vector<16xi32>
      %sub3A_990 = arith.subi %mul3A_980, %mul3A_989 : vector<16xi32>
      %lt3A_991 = arith.constant 0 : i32
      %lt3A_992 = vector.broadcast %lt3A_991 : i32 to vector<16xi32>
      %lt3A_993 = arith.cmpi slt, %sub3A_990, %lt3A_992 : vector<16xi32>
      %add3A_994 = arith.constant 97 : i32
      %add3A_995 = vector.broadcast %add3A_994 : i32 to vector<16xi32>
      %add3A_996 = arith.addi %sub3A_990, %add3A_995 : vector<16xi32>
      %select_n3A_997 = arith.select %lt3A_993, %add3A_996, %sub3A_990 : vector<16xi1>, vector<16xi32>
      %sub3A_998 = arith.constant 97 : i32
      %sub3A_999 = vector.broadcast %sub3A_998 : i32 to vector<16xi32>
      %sub3A_1000 = arith.subi %get3A_941, %sub3A_999 : vector<16xi32>
      %eq3A_1001 = arith.constant 0 : i32
      %eq3A_1002 = vector.broadcast %eq3A_1001 : i32 to vector<16xi32>
      %eq3A_1003 = arith.cmpi eq, %sub3A_1000, %eq3A_1002 : vector<16xi32>
      %eq3A_1004 = arith.constant 1 : i32
      %eq3A_1005 = vector.broadcast %eq3A_1004 : i32 to vector<16xi32>
      %eq3A_1006 = arith.cmpi eq, %sub3A_1000, %eq3A_1005 : vector<16xi32>
      %select_n3A_1007 = arith.select %eq3A_1006, %select_n3A_979, %select_n3A_997 : vector<16xi1>, vector<16xi32>
      %select_n3A_1008 = arith.select %eq3A_1003, %select_n3A_971, %select_n3A_1007 : vector<16xi1>, vector<16xi32>
      %lt3A_1009 = arith.constant 97 : i32
      %lt3A_1010 = vector.broadcast %lt3A_1009 : i32 to vector<16xi32>
      %lt3A_1011 = arith.cmpi slt, %get3A_941, %lt3A_1010 : vector<16xi32>
      %ge3A_1012 = arith.constant 100 : i32
      %ge3A_1013 = vector.broadcast %ge3A_1012 : i32 to vector<16xi32>
      %ge3A_1014 = arith.cmpi sge, %get3A_941, %ge3A_1013 : vector<16xi32>
      %select_n3A_1015 = arith.select %ge3A_1014, %get3A_941, %select_n3A_1008 : vector<16xi1>, vector<16xi32>
      %select_n3A_1016 = arith.select %lt3A_1011, %get3A_941, %select_n3A_1015 : vector<16xi1>, vector<16xi32>
      %mul3A_1017 = arith.constant 16 : i32
      %mul3A_1018 = arith.muli %scan3A_935, %mul3A_1017 : i32
      %swap3A_1019 = arith.index_cast %mul3A_1018 : i32 to index
      %swap3A_1020 = tpu.vector_load %arg9[%swap3A_1019] {strides = array<i32>} : memref<2048xi32, #tpu.memory_space<vmem>>, vector<16xi32>,
      tpu.vector_store %arg9[%swap3A_1019], %select_n3A_1016 {strides = array<i32>} : memref<2048xi32, #tpu.memory_space<vmem>>, vector<16xi32>,
      %mul3A_1021 = arith.constant 16 : i32
      %mul3A_1022 = arith.muli %scan3A_935, %mul3A_1021 : i32
      %add3A_1023 = arith.addi %mul3A_0, %mul3A_1022 : i32
      %sub3A_1024 = vector.broadcast %add3A_1023 : i32 to vector<16xi32>
      %sub3A_1025 = arith.subi %get3A_58, %sub3A_1024 : vector<16xi32>
      %jit3A_1026 = arith.constant 0 : i32
      %jit3A_1027 = arith.constant 16 : i32
      %max3A_1028 = vector.broadcast %jit3A_1026 : i32 to vector<16xi32>
      %max3A_1029 = arith.maxsi %max3A_1028, %sub3A_1025 : vector<16xi32>
      %min3A_1030 = vector.broadcast %jit3A_1027 : i32 to vector<16xi32>
      %min3A_1031 = arith.minsi %min3A_1030, %max3A_1029 : vector<16xi32>
      %sub3A_1032 = vector.broadcast %add3A_1023 : i32 to vector<16xi32>
      %sub3A_1033 = arith.subi %select_n3A_65, %sub3A_1032 : vector<16xi32>
      %jit3A_1034 = arith.constant 0 : i32
      %jit3A_1035 = arith.constant 16 : i32
      %max3A_1036 = vector.broadcast %jit3A_1034 : i32 to vector<16xi32>
      %max3A_1037 = arith.maxsi %max3A_1036, %sub3A_1033 : vector<16xi32>
      %min3A_1038 = vector.broadcast %jit3A_1035 : i32 to vector<16xi32>
      %min3A_1039 = arith.minsi %min3A_1038, %max3A_1037 : vector<16xi32>
      %sub3A_1040 = arith.constant 1 : i32
      %sub3A_1041 = vector.broadcast %sub3A_1040 : i32 to vector<16xi32>
      %sub3A_1042 = arith.subi %min3A_1031, %sub3A_1041 : vector<16xi32>
      %max3A_1043 = arith.constant 0 : i32
      %max3A_1044 = vector.broadcast %max3A_1043 : i32 to vector<16xi32>
      %max3A_1045 = arith.maxsi %sub3A_1042, %max3A_1044 : vector<16xi32>
      %sub3A_1046 = arith.constant 1 : i32
      %sub3A_1047 = vector.broadcast %sub3A_1046 : i32 to vector<16xi32>
      %sub3A_1048 = arith.subi %min3A_1039, %sub3A_1047 : vector<16xi32>
      %max3A_1049 = arith.constant 0 : i32
      %max3A_1050 = vector.broadcast %max3A_1049 : i32 to vector<16xi32>
      %max3A_1051 = arith.maxsi %sub3A_1048, %max3A_1050 : vector<16xi32>
      %broadcast_in_dim3A_1052 = arith.constant 1 : i32
      %broadcast_in_dim3A_1053 = vector.broadcast %broadcast_in_dim3A_1052 : i32 to vector<16xi32>
      %lt3A_1054 = arith.constant 97 : i32
      %lt3A_1055 = vector.broadcast %lt3A_1054 : i32 to vector<16xi32>
      %lt3A_1056 = arith.cmpi slt, %get3A_941, %lt3A_1055 : vector<16xi32>
      %lt3A_1057 = arith.constant 100 : i32
      %lt3A_1058 = vector.broadcast %lt3A_1057 : i32 to vector<16xi32>
      %lt3A_1059 = arith.cmpi slt, %get3A_941, %lt3A_1058 : vector<16xi32>
      %mul3A_1060 = arith.constant 65536 : i32
      %mul3A_1061 = vector.broadcast %mul3A_1060 : i32 to vector<16xi32>
      %mul3A_1062 = arith.muli %broadcast_in_dim3A_1053, %mul3A_1061 : vector<16xi32>
      %jit3A_1063 = arith.constant 0 : i32
      %broadcast_in_dim3A_1064 = vector.broadcast %jit3A_1063 : i32 to vector<16xi32>
      %select_n3A_1065 = arith.select %lt3A_1059, %mul3A_1062, %broadcast_in_dim3A_1064 : vector<16xi1>, vector<16xi32>
      %select_n3A_1066 = arith.select %lt3A_1056, %broadcast_in_dim3A_1053, %select_n3A_1065 : vector<16xi1>, vector<16xi32>
      %broadcast_in_dim3A_1067 = arith.constant true
      %broadcast_in_dim3A_1068 = vector.broadcast %broadcast_in_dim3A_1067 : i1 to vector<16xi1>
      %masked_cumsum3A_1069 = tpu.scan <sum>, %select_n3A_1066 masked %broadcast_in_dim3A_1068 : vector<16xi32>, vector<16xi1> -> vector<16xi32>
      %gt3A_1070 = arith.constant 0 : i32
      %gt3A_1071 = vector.broadcast %gt3A_1070 : i32 to vector<16xi32>
      %gt3A_1072 = arith.cmpi sgt, %min3A_1039, %gt3A_1071 : vector<16xi32>
      %lt3A_1073 = arith.constant 0 : i32
      %lt3A_1074 = vector.broadcast %lt3A_1073 : i32 to vector<16xi32>
      %lt3A_1075 = arith.cmpi slt, %max3A_1051, %lt3A_1074 : vector<16xi32>
      %add3A_1076 = arith.constant 16 : i32
      %add3A_1077 = vector.broadcast %add3A_1076 : i32 to vector<16xi32>
      %add3A_1078 = arith.addi %max3A_1051, %add3A_1077 : vector<16xi32>
      %select_n3A_1079 = arith.select %lt3A_1075, %add3A_1078, %max3A_1051 : vector<16xi1>, vector<16xi32>
      %broadcast_in_dim3A_1080 = vector.shape_cast %select_n3A_1079 : vector<16xi32> to vector<16x1xi32>
      %gather3A_1081 = vector.shape_cast %broadcast_in_dim3A_1080 : vector<16x1xi32> to vector<16xi32>
      %gather3A_1082 = tpu.dynamic_gather %masked_cumsum3A_1069[%gather3A_1081] in [0] : vector<16xi32>, vector<16xi32> -> vector<16xi32>
      %jit3A_1083 = arith.constant 0 : i32
      %broadcast_in_dim3A_1084 = vector.broadcast %jit3A_1083 : i32 to vector<16xi32>
      %select_n3A_1085 = arith.select %gt3A_1072, %gather3A_1082, %broadcast_in_dim3A_1084 : vector<16xi1>, vector<16xi32>
      %gt3A_1086 = arith.constant 0 : i32
      %gt3A_1087 = vector.broadcast %gt3A_1086 : i32 to vector<16xi32>
      %gt3A_1088 = arith.cmpi sgt, %min3A_1031, %gt3A_1087 : vector<16xi32>
      %lt3A_1089 = arith.constant 0 : i32
      %lt3A_1090 = vector.broadcast %lt3A_1089 : i32 to vector<16xi32>
      %lt3A_1091 = arith.cmpi slt, %max3A_1045, %lt3A_1090 : vector<16xi32>
      %add3A_1092 = arith.constant 16 : i32
      %add3A_1093 = vector.broadcast %add3A_1092 : i32 to vector<16xi32>
      %add3A_1094 = arith.addi %max3A_1045, %add3A_1093 : vector<16xi32>
      %select_n3A_1095 = arith.select %lt3A_1091, %add3A_1094, %max3A_1045 : vector<16xi1>, vector<16xi32>
      %broadcast_in_dim3A_1096 = vector.shape_cast %select_n3A_1095 : vector<16xi32> to vector<16x1xi32>
      %gather3A_1097 = vector.shape_cast %broadcast_in_dim3A_1096 : vector<16x1xi32> to vector<16xi32>
      %gather3A_1098 = tpu.dynamic_gather %masked_cumsum3A_1069[%gather3A_1097] in [0] : vector<16xi32>, vector<16xi32> -> vector<16xi32>
      %jit3A_1099 = arith.constant 0 : i32
      %broadcast_in_dim3A_1100 = vector.broadcast %jit3A_1099 : i32 to vector<16xi32>
      %select_n3A_1101 = arith.select %gt3A_1088, %gather3A_1098, %broadcast_in_dim3A_1100 : vector<16xi1>, vector<16xi32>
      %sub3A_1102 = arith.subi %select_n3A_1085, %select_n3A_1101 : vector<16xi32>
      %add3A_1103 = arith.addi %add3A_933, %sub3A_1102 : vector<16xi32>
      %scan3A_1104 = arith.constant 6 : i32
      %scan3A_1105 = arith.addi %scan3A_91, %scan3A_1104 : i32
      %mul3A_1106 = arith.constant 16 : i32
      %mul3A_1107 = arith.muli %scan3A_1105, %mul3A_1106 : i32
      %add3A_1108 = arith.constant 16 : i32
      %add3A_1109 = arith.addi %add3A_1108, %mul3A_1107 : i32
      %get3A_1110 = arith.index_cast %add3A_1109 : i32 to index
      %get3A_1111 = tpu.vector_load %arg7[%get3A_1110] {strides = array<i32>} : memref<2080xi32, #tpu.memory_space<vmem>>, vector<16xi32>,
      %sub3A_1112 = arith.constant 1 : i32
      %sub3A_1113 = arith.subi %add3A_1109, %sub3A_1112 : i32
      %get3A_1114 = arith.index_cast %sub3A_1113 : i32 to index
      %get3A_1115 = tpu.vector_load %arg7[%get3A_1114] {strides = array<i32>} : memref<2080xi32, #tpu.memory_space<vmem>>, vector<16xi32>,
      %add3A_1116 = arith.constant 1 : i32
      %add3A_1117 = arith.addi %add3A_1109, %add3A_1116 : i32
      %get3A_1118 = arith.index_cast %add3A_1117 : i32 to index
      %get3A_1119 = tpu.vector_load %arg7[%get3A_1118] {strides = array<i32>} : memref<2080xi32, #tpu.memory_space<vmem>>, vector<16xi32>,
      %ge3A_1120 = arith.constant 97 : i32
      %ge3A_1121 = vector.broadcast %ge3A_1120 : i32 to vector<16xi32>
      %ge3A_1122 = arith.cmpi sge, %get3A_1115, %ge3A_1121 : vector<16xi32>
      %sub3A_1123 = arith.constant 97 : i32
      %sub3A_1124 = vector.broadcast %sub3A_1123 : i32 to vector<16xi32>
      %sub3A_1125 = arith.subi %get3A_1115, %sub3A_1124 : vector<16xi32>
      %select_n3A_1126 = arith.select %ge3A_1122, %sub3A_1125, %get3A_1115 : vector<16xi1>, vector<16xi32>
      %ge3A_1127 = arith.constant 97 : i32
      %ge3A_1128 = vector.broadcast %ge3A_1127 : i32 to vector<16xi32>
      %ge3A_1129 = arith.cmpi sge, %get3A_1119, %ge3A_1128 : vector<16xi32>
      %sub3A_1130 = arith.constant 97 : i32
      %sub3A_1131 = vector.broadcast %sub3A_1130 : i32 to vector<16xi32>
      %sub3A_1132 = arith.subi %get3A_1119, %sub3A_1131 : vector<16xi32>
      %select_n3A_1133 = arith.select %ge3A_1129, %sub3A_1132, %get3A_1119 : vector<16xi1>, vector<16xi32>
      %add3A_1134 = arith.addi %select_n3A_1126, %select_n3A_1133 : vector<16xi32>
      %ge3A_1135 = arith.constant 97 : i32
      %ge3A_1136 = vector.broadcast %ge3A_1135 : i32 to vector<16xi32>
      %ge3A_1137 = arith.cmpi sge, %add3A_1134, %ge3A_1136 : vector<16xi32>
      %sub3A_1138 = arith.constant 97 : i32
      %sub3A_1139 = vector.broadcast %sub3A_1138 : i32 to vector<16xi32>
      %sub3A_1140 = arith.subi %add3A_1134, %sub3A_1139 : vector<16xi32>
      %select_n3A_1141 = arith.select %ge3A_1137, %sub3A_1140, %add3A_1134 : vector<16xi1>, vector<16xi32>
      %sub3A_1142 = arith.subi %select_n3A_1126, %select_n3A_1133 : vector<16xi32>
      %lt3A_1143 = arith.constant 0 : i32
      %lt3A_1144 = vector.broadcast %lt3A_1143 : i32 to vector<16xi32>
      %lt3A_1145 = arith.cmpi slt, %sub3A_1142, %lt3A_1144 : vector<16xi32>
      %add3A_1146 = arith.constant 97 : i32
      %add3A_1147 = vector.broadcast %add3A_1146 : i32 to vector<16xi32>
      %add3A_1148 = arith.addi %sub3A_1142, %add3A_1147 : vector<16xi32>
      %select_n3A_1149 = arith.select %lt3A_1145, %add3A_1148, %sub3A_1142 : vector<16xi1>, vector<16xi32>
      %mul3A_1150 = arith.muli %select_n3A_1126, %select_n3A_1133 : vector<16xi32>
      %mul3A_1151 = arith.constant 676 : i32
      %mul3A_1152 = vector.broadcast %mul3A_1151 : i32 to vector<16xi32>
      %mul3A_1153 = arith.muli %mul3A_1150, %mul3A_1152 : vector<16xi32>
      %shift_right_arithmetic3A_1154 = arith.constant 16 : i32
      %shift_right_arithmetic3A_1155 = vector.broadcast %shift_right_arithmetic3A_1154 : i32 to vector<16xi32>
      %shift_right_arithmetic3A_1156 = arith.shrsi %mul3A_1153, %shift_right_arithmetic3A_1155 : vector<16xi32>
      %mul3A_1157 = arith.constant 97 : i32
      %mul3A_1158 = vector.broadcast %mul3A_1157 : i32 to vector<16xi32>
      %mul3A_1159 = arith.muli %shift_right_arithmetic3A_1156, %mul3A_1158 : vector<16xi32>
      %sub3A_1160 = arith.subi %mul3A_1150, %mul3A_1159 : vector<16xi32>
      %lt3A_1161 = arith.constant 0 : i32
      %lt3A_1162 = vector.broadcast %lt3A_1161 : i32 to vector<16xi32>
      %lt3A_1163 = arith.cmpi slt, %sub3A_1160, %lt3A_1162 : vector<16xi32>
      %add3A_1164 = arith.constant 97 : i32
      %add3A_1165 = vector.broadcast %add3A_1164 : i32 to vector<16xi32>
      %add3A_1166 = arith.addi %sub3A_1160, %add3A_1165 : vector<16xi32>
      %select_n3A_1167 = arith.select %lt3A_1163, %add3A_1166, %sub3A_1160 : vector<16xi1>, vector<16xi32>
      %sub3A_1168 = arith.constant 97 : i32
      %sub3A_1169 = vector.broadcast %sub3A_1168 : i32 to vector<16xi32>
      %sub3A_1170 = arith.subi %get3A_1111, %sub3A_1169 : vector<16xi32>
      %eq3A_1171 = arith.constant 0 : i32
      %eq3A_1172 = vector.broadcast %eq3A_1171 : i32 to vector<16xi32>
      %eq3A_1173 = arith.cmpi eq, %sub3A_1170, %eq3A_1172 : vector<16xi32>
      %eq3A_1174 = arith.constant 1 : i32
      %eq3A_1175 = vector.broadcast %eq3A_1174 : i32 to vector<16xi32>
      %eq3A_1176 = arith.cmpi eq, %sub3A_1170, %eq3A_1175 : vector<16xi32>
      %select_n3A_1177 = arith.select %eq3A_1176, %select_n3A_1149, %select_n3A_1167 : vector<16xi1>, vector<16xi32>
      %select_n3A_1178 = arith.select %eq3A_1173, %select_n3A_1141, %select_n3A_1177 : vector<16xi1>, vector<16xi32>
      %lt3A_1179 = arith.constant 97 : i32
      %lt3A_1180 = vector.broadcast %lt3A_1179 : i32 to vector<16xi32>
      %lt3A_1181 = arith.cmpi slt, %get3A_1111, %lt3A_1180 : vector<16xi32>
      %ge3A_1182 = arith.constant 100 : i32
      %ge3A_1183 = vector.broadcast %ge3A_1182 : i32 to vector<16xi32>
      %ge3A_1184 = arith.cmpi sge, %get3A_1111, %ge3A_1183 : vector<16xi32>
      %select_n3A_1185 = arith.select %ge3A_1184, %get3A_1111, %select_n3A_1178 : vector<16xi1>, vector<16xi32>
      %select_n3A_1186 = arith.select %lt3A_1181, %get3A_1111, %select_n3A_1185 : vector<16xi1>, vector<16xi32>
      %mul3A_1187 = arith.constant 16 : i32
      %mul3A_1188 = arith.muli %scan3A_1105, %mul3A_1187 : i32
      %swap3A_1189 = arith.index_cast %mul3A_1188 : i32 to index
      %swap3A_1190 = tpu.vector_load %arg9[%swap3A_1189] {strides = array<i32>} : memref<2048xi32, #tpu.memory_space<vmem>>, vector<16xi32>,
      tpu.vector_store %arg9[%swap3A_1189], %select_n3A_1186 {strides = array<i32>} : memref<2048xi32, #tpu.memory_space<vmem>>, vector<16xi32>,
      %mul3A_1191 = arith.constant 16 : i32
      %mul3A_1192 = arith.muli %scan3A_1105, %mul3A_1191 : i32
      %add3A_1193 = arith.addi %mul3A_0, %mul3A_1192 : i32
      %sub3A_1194 = vector.broadcast %add3A_1193 : i32 to vector<16xi32>
      %sub3A_1195 = arith.subi %get3A_58, %sub3A_1194 : vector<16xi32>
      %jit3A_1196 = arith.constant 0 : i32
      %jit3A_1197 = arith.constant 16 : i32
      %max3A_1198 = vector.broadcast %jit3A_1196 : i32 to vector<16xi32>
      %max3A_1199 = arith.maxsi %max3A_1198, %sub3A_1195 : vector<16xi32>
      %min3A_1200 = vector.broadcast %jit3A_1197 : i32 to vector<16xi32>
      %min3A_1201 = arith.minsi %min3A_1200, %max3A_1199 : vector<16xi32>
      %sub3A_1202 = vector.broadcast %add3A_1193 : i32 to vector<16xi32>
      %sub3A_1203 = arith.subi %select_n3A_65, %sub3A_1202 : vector<16xi32>
      %jit3A_1204 = arith.constant 0 : i32
      %jit3A_1205 = arith.constant 16 : i32
      %max3A_1206 = vector.broadcast %jit3A_1204 : i32 to vector<16xi32>
      %max3A_1207 = arith.maxsi %max3A_1206, %sub3A_1203 : vector<16xi32>
      %min3A_1208 = vector.broadcast %jit3A_1205 : i32 to vector<16xi32>
      %min3A_1209 = arith.minsi %min3A_1208, %max3A_1207 : vector<16xi32>
      %sub3A_1210 = arith.constant 1 : i32
      %sub3A_1211 = vector.broadcast %sub3A_1210 : i32 to vector<16xi32>
      %sub3A_1212 = arith.subi %min3A_1201, %sub3A_1211 : vector<16xi32>
      %max3A_1213 = arith.constant 0 : i32
      %max3A_1214 = vector.broadcast %max3A_1213 : i32 to vector<16xi32>
      %max3A_1215 = arith.maxsi %sub3A_1212, %max3A_1214 : vector<16xi32>
      %sub3A_1216 = arith.constant 1 : i32
      %sub3A_1217 = vector.broadcast %sub3A_1216 : i32 to vector<16xi32>
      %sub3A_1218 = arith.subi %min3A_1209, %sub3A_1217 : vector<16xi32>
      %max3A_1219 = arith.constant 0 : i32
      %max3A_1220 = vector.broadcast %max3A_1219 : i32 to vector<16xi32>
      %max3A_1221 = arith.maxsi %sub3A_1218, %max3A_1220 : vector<16xi32>
      %broadcast_in_dim3A_1222 = arith.constant 1 : i32
      %broadcast_in_dim3A_1223 = vector.broadcast %broadcast_in_dim3A_1222 : i32 to vector<16xi32>
      %lt3A_1224 = arith.constant 97 : i32
      %lt3A_1225 = vector.broadcast %lt3A_1224 : i32 to vector<16xi32>
      %lt3A_1226 = arith.cmpi slt, %get3A_1111, %lt3A_1225 : vector<16xi32>
      %lt3A_1227 = arith.constant 100 : i32
      %lt3A_1228 = vector.broadcast %lt3A_1227 : i32 to vector<16xi32>
      %lt3A_1229 = arith.cmpi slt, %get3A_1111, %lt3A_1228 : vector<16xi32>
      %mul3A_1230 = arith.constant 65536 : i32
      %mul3A_1231 = vector.broadcast %mul3A_1230 : i32 to vector<16xi32>
      %mul3A_1232 = arith.muli %broadcast_in_dim3A_1223, %mul3A_1231 : vector<16xi32>
      %jit3A_1233 = arith.constant 0 : i32
      %broadcast_in_dim3A_1234 = vector.broadcast %jit3A_1233 : i32 to vector<16xi32>
      %select_n3A_1235 = arith.select %lt3A_1229, %mul3A_1232, %broadcast_in_dim3A_1234 : vector<16xi1>, vector<16xi32>
      %select_n3A_1236 = arith.select %lt3A_1226, %broadcast_in_dim3A_1223, %select_n3A_1235 : vector<16xi1>, vector<16xi32>
      %broadcast_in_dim3A_1237 = arith.constant true
      %broadcast_in_dim3A_1238 = vector.broadcast %broadcast_in_dim3A_1237 : i1 to vector<16xi1>
      %masked_cumsum3A_1239 = tpu.scan <sum>, %select_n3A_1236 masked %broadcast_in_dim3A_1238 : vector<16xi32>, vector<16xi1> -> vector<16xi32>
      %gt3A_1240 = arith.constant 0 : i32
      %gt3A_1241 = vector.broadcast %gt3A_1240 : i32 to vector<16xi32>
      %gt3A_1242 = arith.cmpi sgt, %min3A_1209, %gt3A_1241 : vector<16xi32>
      %lt3A_1243 = arith.constant 0 : i32
      %lt3A_1244 = vector.broadcast %lt3A_1243 : i32 to vector<16xi32>
      %lt3A_1245 = arith.cmpi slt, %max3A_1221, %lt3A_1244 : vector<16xi32>
      %add3A_1246 = arith.constant 16 : i32
      %add3A_1247 = vector.broadcast %add3A_1246 : i32 to vector<16xi32>
      %add3A_1248 = arith.addi %max3A_1221, %add3A_1247 : vector<16xi32>
      %select_n3A_1249 = arith.select %lt3A_1245, %add3A_1248, %max3A_1221 : vector<16xi1>, vector<16xi32>
      %broadcast_in_dim3A_1250 = vector.shape_cast %select_n3A_1249 : vector<16xi32> to vector<16x1xi32>
      %gather3A_1251 = vector.shape_cast %broadcast_in_dim3A_1250 : vector<16x1xi32> to vector<16xi32>
      %gather3A_1252 = tpu.dynamic_gather %masked_cumsum3A_1239[%gather3A_1251] in [0] : vector<16xi32>, vector<16xi32> -> vector<16xi32>
      %jit3A_1253 = arith.constant 0 : i32
      %broadcast_in_dim3A_1254 = vector.broadcast %jit3A_1253 : i32 to vector<16xi32>
      %select_n3A_1255 = arith.select %gt3A_1242, %gather3A_1252, %broadcast_in_dim3A_1254 : vector<16xi1>, vector<16xi32>
      %gt3A_1256 = arith.constant 0 : i32
      %gt3A_1257 = vector.broadcast %gt3A_1256 : i32 to vector<16xi32>
      %gt3A_1258 = arith.cmpi sgt, %min3A_1201, %gt3A_1257 : vector<16xi32>
      %lt3A_1259 = arith.constant 0 : i32
      %lt3A_1260 = vector.broadcast %lt3A_1259 : i32 to vector<16xi32>
      %lt3A_1261 = arith.cmpi slt, %max3A_1215, %lt3A_1260 : vector<16xi32>
      %add3A_1262 = arith.constant 16 : i32
      %add3A_1263 = vector.broadcast %add3A_1262 : i32 to vector<16xi32>
      %add3A_1264 = arith.addi %max3A_1215, %add3A_1263 : vector<16xi32>
      %select_n3A_1265 = arith.select %lt3A_1261, %add3A_1264, %max3A_1215 : vector<16xi1>, vector<16xi32>
      %broadcast_in_dim3A_1266 = vector.shape_cast %select_n3A_1265 : vector<16xi32> to vector<16x1xi32>
      %gather3A_1267 = vector.shape_cast %broadcast_in_dim3A_1266 : vector<16x1xi32> to vector<16xi32>
      %gather3A_1268 = tpu.dynamic_gather %masked_cumsum3A_1239[%gather3A_1267] in [0] : vector<16xi32>, vector<16xi32> -> vector<16xi32>
      %jit3A_1269 = arith.constant 0 : i32
      %broadcast_in_dim3A_1270 = vector.broadcast %jit3A_1269 : i32 to vector<16xi32>
      %select_n3A_1271 = arith.select %gt3A_1258, %gather3A_1268, %broadcast_in_dim3A_1270 : vector<16xi1>, vector<16xi32>
      %sub3A_1272 = arith.subi %select_n3A_1255, %select_n3A_1271 : vector<16xi32>
      %add3A_1273 = arith.addi %add3A_1103, %sub3A_1272 : vector<16xi32>
      %scan3A_1274 = arith.constant 7 : i32
      %scan3A_1275 = arith.addi %scan3A_91, %scan3A_1274 : i32
      %mul3A_1276 = arith.constant 16 : i32
      %mul3A_1277 = arith.muli %scan3A_1275, %mul3A_1276 : i32
      %add3A_1278 = arith.constant 16 : i32
      %add3A_1279 = arith.addi %add3A_1278, %mul3A_1277 : i32
      %get3A_1280 = arith.index_cast %add3A_1279 : i32 to index
      %get3A_1281 = tpu.vector_load %arg7[%get3A_1280] {strides = array<i32>} : memref<2080xi32, #tpu.memory_space<vmem>>, vector<16xi32>,
      %sub3A_1282 = arith.constant 1 : i32
      %sub3A_1283 = arith.subi %add3A_1279, %sub3A_1282 : i32
      %get3A_1284 = arith.index_cast %sub3A_1283 : i32 to index
      %get3A_1285 = tpu.vector_load %arg7[%get3A_1284] {strides = array<i32>} : memref<2080xi32, #tpu.memory_space<vmem>>, vector<16xi32>,
      %add3A_1286 = arith.constant 1 : i32
      %add3A_1287 = arith.addi %add3A_1279, %add3A_1286 : i32
      %get3A_1288 = arith.index_cast %add3A_1287 : i32 to index
      %get3A_1289 = tpu.vector_load %arg7[%get3A_1288] {strides = array<i32>} : memref<2080xi32, #tpu.memory_space<vmem>>, vector<16xi32>,
      %ge3A_1290 = arith.constant 97 : i32
      %ge3A_1291 = vector.broadcast %ge3A_1290 : i32 to vector<16xi32>
      %ge3A_1292 = arith.cmpi sge, %get3A_1285, %ge3A_1291 : vector<16xi32>
      %sub3A_1293 = arith.constant 97 : i32
      %sub3A_1294 = vector.broadcast %sub3A_1293 : i32 to vector<16xi32>
      %sub3A_1295 = arith.subi %get3A_1285, %sub3A_1294 : vector<16xi32>
      %select_n3A_1296 = arith.select %ge3A_1292, %sub3A_1295, %get3A_1285 : vector<16xi1>, vector<16xi32>
      %ge3A_1297 = arith.constant 97 : i32
      %ge3A_1298 = vector.broadcast %ge3A_1297 : i32 to vector<16xi32>
      %ge3A_1299 = arith.cmpi sge, %get3A_1289, %ge3A_1298 : vector<16xi32>
      %sub3A_1300 = arith.constant 97 : i32
      %sub3A_1301 = vector.broadcast %sub3A_1300 : i32 to vector<16xi32>
      %sub3A_1302 = arith.subi %get3A_1289, %sub3A_1301 : vector<16xi32>
      %select_n3A_1303 = arith.select %ge3A_1299, %sub3A_1302, %get3A_1289 : vector<16xi1>, vector<16xi32>
      %add3A_1304 = arith.addi %select_n3A_1296, %select_n3A_1303 : vector<16xi32>
      %ge3A_1305 = arith.constant 97 : i32
      %ge3A_1306 = vector.broadcast %ge3A_1305 : i32 to vector<16xi32>
      %ge3A_1307 = arith.cmpi sge, %add3A_1304, %ge3A_1306 : vector<16xi32>
      %sub3A_1308 = arith.constant 97 : i32
      %sub3A_1309 = vector.broadcast %sub3A_1308 : i32 to vector<16xi32>
      %sub3A_1310 = arith.subi %add3A_1304, %sub3A_1309 : vector<16xi32>
      %select_n3A_1311 = arith.select %ge3A_1307, %sub3A_1310, %add3A_1304 : vector<16xi1>, vector<16xi32>
      %sub3A_1312 = arith.subi %select_n3A_1296, %select_n3A_1303 : vector<16xi32>
      %lt3A_1313 = arith.constant 0 : i32
      %lt3A_1314 = vector.broadcast %lt3A_1313 : i32 to vector<16xi32>
      %lt3A_1315 = arith.cmpi slt, %sub3A_1312, %lt3A_1314 : vector<16xi32>
      %add3A_1316 = arith.constant 97 : i32
      %add3A_1317 = vector.broadcast %add3A_1316 : i32 to vector<16xi32>
      %add3A_1318 = arith.addi %sub3A_1312, %add3A_1317 : vector<16xi32>
      %select_n3A_1319 = arith.select %lt3A_1315, %add3A_1318, %sub3A_1312 : vector<16xi1>, vector<16xi32>
      %mul3A_1320 = arith.muli %select_n3A_1296, %select_n3A_1303 : vector<16xi32>
      %mul3A_1321 = arith.constant 676 : i32
      %mul3A_1322 = vector.broadcast %mul3A_1321 : i32 to vector<16xi32>
      %mul3A_1323 = arith.muli %mul3A_1320, %mul3A_1322 : vector<16xi32>
      %shift_right_arithmetic3A_1324 = arith.constant 16 : i32
      %shift_right_arithmetic3A_1325 = vector.broadcast %shift_right_arithmetic3A_1324 : i32 to vector<16xi32>
      %shift_right_arithmetic3A_1326 = arith.shrsi %mul3A_1323, %shift_right_arithmetic3A_1325 : vector<16xi32>
      %mul3A_1327 = arith.constant 97 : i32
      %mul3A_1328 = vector.broadcast %mul3A_1327 : i32 to vector<16xi32>
      %mul3A_1329 = arith.muli %shift_right_arithmetic3A_1326, %mul3A_1328 : vector<16xi32>
      %sub3A_1330 = arith.subi %mul3A_1320, %mul3A_1329 : vector<16xi32>
      %lt3A_1331 = arith.constant 0 : i32
      %lt3A_1332 = vector.broadcast %lt3A_1331 : i32 to vector<16xi32>
      %lt3A_1333 = arith.cmpi slt, %sub3A_1330, %lt3A_1332 : vector<16xi32>
      %add3A_1334 = arith.constant 97 : i32
      %add3A_1335 = vector.broadcast %add3A_1334 : i32 to vector<16xi32>
      %add3A_1336 = arith.addi %sub3A_1330, %add3A_1335 : vector<16xi32>
      %select_n3A_1337 = arith.select %lt3A_1333, %add3A_1336, %sub3A_1330 : vector<16xi1>, vector<16xi32>
      %sub3A_1338 = arith.constant 97 : i32
      %sub3A_1339 = vector.broadcast %sub3A_1338 : i32 to vector<16xi32>
      %sub3A_1340 = arith.subi %get3A_1281, %sub3A_1339 : vector<16xi32>
      %eq3A_1341 = arith.constant 0 : i32
      %eq3A_1342 = vector.broadcast %eq3A_1341 : i32 to vector<16xi32>
      %eq3A_1343 = arith.cmpi eq, %sub3A_1340, %eq3A_1342 : vector<16xi32>
      %eq3A_1344 = arith.constant 1 : i32
      %eq3A_1345 = vector.broadcast %eq3A_1344 : i32 to vector<16xi32>
      %eq3A_1346 = arith.cmpi eq, %sub3A_1340, %eq3A_1345 : vector<16xi32>
      %select_n3A_1347 = arith.select %eq3A_1346, %select_n3A_1319, %select_n3A_1337 : vector<16xi1>, vector<16xi32>
      %select_n3A_1348 = arith.select %eq3A_1343, %select_n3A_1311, %select_n3A_1347 : vector<16xi1>, vector<16xi32>
      %lt3A_1349 = arith.constant 97 : i32
      %lt3A_1350 = vector.broadcast %lt3A_1349 : i32 to vector<16xi32>
      %lt3A_1351 = arith.cmpi slt, %get3A_1281, %lt3A_1350 : vector<16xi32>
      %ge3A_1352 = arith.constant 100 : i32
      %ge3A_1353 = vector.broadcast %ge3A_1352 : i32 to vector<16xi32>
      %ge3A_1354 = arith.cmpi sge, %get3A_1281, %ge3A_1353 : vector<16xi32>
      %select_n3A_1355 = arith.select %ge3A_1354, %get3A_1281, %select_n3A_1348 : vector<16xi1>, vector<16xi32>
      %select_n3A_1356 = arith.select %lt3A_1351, %get3A_1281, %select_n3A_1355 : vector<16xi1>, vector<16xi32>
      %mul3A_1357 = arith.constant 16 : i32
      %mul3A_1358 = arith.muli %scan3A_1275, %mul3A_1357 : i32
      %swap3A_1359 = arith.index_cast %mul3A_1358 : i32 to index
      %swap3A_1360 = tpu.vector_load %arg9[%swap3A_1359] {strides = array<i32>} : memref<2048xi32, #tpu.memory_space<vmem>>, vector<16xi32>,
      tpu.vector_store %arg9[%swap3A_1359], %select_n3A_1356 {strides = array<i32>} : memref<2048xi32, #tpu.memory_space<vmem>>, vector<16xi32>,
      %mul3A_1361 = arith.constant 16 : i32
      %mul3A_1362 = arith.muli %scan3A_1275, %mul3A_1361 : i32
      %add3A_1363 = arith.addi %mul3A_0, %mul3A_1362 : i32
      %sub3A_1364 = vector.broadcast %add3A_1363 : i32 to vector<16xi32>
      %sub3A_1365 = arith.subi %get3A_58, %sub3A_1364 : vector<16xi32>
      %jit3A_1366 = arith.constant 0 : i32
      %jit3A_1367 = arith.constant 16 : i32
      %max3A_1368 = vector.broadcast %jit3A_1366 : i32 to vector<16xi32>
      %max3A_1369 = arith.maxsi %max3A_1368, %sub3A_1365 : vector<16xi32>
      %min3A_1370 = vector.broadcast %jit3A_1367 : i32 to vector<16xi32>
      %min3A_1371 = arith.minsi %min3A_1370, %max3A_1369 : vector<16xi32>
      %sub3A_1372 = vector.broadcast %add3A_1363 : i32 to vector<16xi32>
      %sub3A_1373 = arith.subi %select_n3A_65, %sub3A_1372 : vector<16xi32>
      %jit3A_1374 = arith.constant 0 : i32
      %jit3A_1375 = arith.constant 16 : i32
      %max3A_1376 = vector.broadcast %jit3A_1374 : i32 to vector<16xi32>
      %max3A_1377 = arith.maxsi %max3A_1376, %sub3A_1373 : vector<16xi32>
      %min3A_1378 = vector.broadcast %jit3A_1375 : i32 to vector<16xi32>
      %min3A_1379 = arith.minsi %min3A_1378, %max3A_1377 : vector<16xi32>
      %sub3A_1380 = arith.constant 1 : i32
      %sub3A_1381 = vector.broadcast %sub3A_1380 : i32 to vector<16xi32>
      %sub3A_1382 = arith.subi %min3A_1371, %sub3A_1381 : vector<16xi32>
      %max3A_1383 = arith.constant 0 : i32
      %max3A_1384 = vector.broadcast %max3A_1383 : i32 to vector<16xi32>
      %max3A_1385 = arith.maxsi %sub3A_1382, %max3A_1384 : vector<16xi32>
      %sub3A_1386 = arith.constant 1 : i32
      %sub3A_1387 = vector.broadcast %sub3A_1386 : i32 to vector<16xi32>
      %sub3A_1388 = arith.subi %min3A_1379, %sub3A_1387 : vector<16xi32>
      %max3A_1389 = arith.constant 0 : i32
      %max3A_1390 = vector.broadcast %max3A_1389 : i32 to vector<16xi32>
      %max3A_1391 = arith.maxsi %sub3A_1388, %max3A_1390 : vector<16xi32>
      %broadcast_in_dim3A_1392 = arith.constant 1 : i32
      %broadcast_in_dim3A_1393 = vector.broadcast %broadcast_in_dim3A_1392 : i32 to vector<16xi32>
      %lt3A_1394 = arith.constant 97 : i32
      %lt3A_1395 = vector.broadcast %lt3A_1394 : i32 to vector<16xi32>
      %lt3A_1396 = arith.cmpi slt, %get3A_1281, %lt3A_1395 : vector<16xi32>
      %lt3A_1397 = arith.constant 100 : i32
      %lt3A_1398 = vector.broadcast %lt3A_1397 : i32 to vector<16xi32>
      %lt3A_1399 = arith.cmpi slt, %get3A_1281, %lt3A_1398 : vector<16xi32>
      %mul3A_1400 = arith.constant 65536 : i32
      %mul3A_1401 = vector.broadcast %mul3A_1400 : i32 to vector<16xi32>
      %mul3A_1402 = arith.muli %broadcast_in_dim3A_1393, %mul3A_1401 : vector<16xi32>
      %jit3A_1403 = arith.constant 0 : i32
      %broadcast_in_dim3A_1404 = vector.broadcast %jit3A_1403 : i32 to vector<16xi32>
      %select_n3A_1405 = arith.select %lt3A_1399, %mul3A_1402, %broadcast_in_dim3A_1404 : vector<16xi1>, vector<16xi32>
      %select_n3A_1406 = arith.select %lt3A_1396, %broadcast_in_dim3A_1393, %select_n3A_1405 : vector<16xi1>, vector<16xi32>
      %broadcast_in_dim3A_1407 = arith.constant true
      %broadcast_in_dim3A_1408 = vector.broadcast %broadcast_in_dim3A_1407 : i1 to vector<16xi1>
      %masked_cumsum3A_1409 = tpu.scan <sum>, %select_n3A_1406 masked %broadcast_in_dim3A_1408 : vector<16xi32>, vector<16xi1> -> vector<16xi32>
      %gt3A_1410 = arith.constant 0 : i32
      %gt3A_1411 = vector.broadcast %gt3A_1410 : i32 to vector<16xi32>
      %gt3A_1412 = arith.cmpi sgt, %min3A_1379, %gt3A_1411 : vector<16xi32>
      %lt3A_1413 = arith.constant 0 : i32
      %lt3A_1414 = vector.broadcast %lt3A_1413 : i32 to vector<16xi32>
      %lt3A_1415 = arith.cmpi slt, %max3A_1391, %lt3A_1414 : vector<16xi32>
      %add3A_1416 = arith.constant 16 : i32
      %add3A_1417 = vector.broadcast %add3A_1416 : i32 to vector<16xi32>
      %add3A_1418 = arith.addi %max3A_1391, %add3A_1417 : vector<16xi32>
      %select_n3A_1419 = arith.select %lt3A_1415, %add3A_1418, %max3A_1391 : vector<16xi1>, vector<16xi32>
      %broadcast_in_dim3A_1420 = vector.shape_cast %select_n3A_1419 : vector<16xi32> to vector<16x1xi32>
      %gather3A_1421 = vector.shape_cast %broadcast_in_dim3A_1420 : vector<16x1xi32> to vector<16xi32>
      %gather3A_1422 = tpu.dynamic_gather %masked_cumsum3A_1409[%gather3A_1421] in [0] : vector<16xi32>, vector<16xi32> -> vector<16xi32>
      %jit3A_1423 = arith.constant 0 : i32
      %broadcast_in_dim3A_1424 = vector.broadcast %jit3A_1423 : i32 to vector<16xi32>
      %select_n3A_1425 = arith.select %gt3A_1412, %gather3A_1422, %broadcast_in_dim3A_1424 : vector<16xi1>, vector<16xi32>
      %gt3A_1426 = arith.constant 0 : i32
      %gt3A_1427 = vector.broadcast %gt3A_1426 : i32 to vector<16xi32>
      %gt3A_1428 = arith.cmpi sgt, %min3A_1371, %gt3A_1427 : vector<16xi32>
      %lt3A_1429 = arith.constant 0 : i32
      %lt3A_1430 = vector.broadcast %lt3A_1429 : i32 to vector<16xi32>
      %lt3A_1431 = arith.cmpi slt, %max3A_1385, %lt3A_1430 : vector<16xi32>
      %add3A_1432 = arith.constant 16 : i32
      %add3A_1433 = vector.broadcast %add3A_1432 : i32 to vector<16xi32>
      %add3A_1434 = arith.addi %max3A_1385, %add3A_1433 : vector<16xi32>
      %select_n3A_1435 = arith.select %lt3A_1431, %add3A_1434, %max3A_1385 : vector<16xi1>, vector<16xi32>
      %broadcast_in_dim3A_1436 = vector.shape_cast %select_n3A_1435 : vector<16xi32> to vector<16x1xi32>
      %gather3A_1437 = vector.shape_cast %broadcast_in_dim3A_1436 : vector<16x1xi32> to vector<16xi32>
      %gather3A_1438 = tpu.dynamic_gather %masked_cumsum3A_1409[%gather3A_1437] in [0] : vector<16xi32>, vector<16xi32> -> vector<16xi32>
      %jit3A_1439 = arith.constant 0 : i32
      %broadcast_in_dim3A_1440 = vector.broadcast %jit3A_1439 : i32 to vector<16xi32>
      %select_n3A_1441 = arith.select %gt3A_1428, %gather3A_1438, %broadcast_in_dim3A_1440 : vector<16xi1>, vector<16xi32>
      %sub3A_1442 = arith.subi %select_n3A_1425, %select_n3A_1441 : vector<16xi32>
      %add3A_1443 = arith.addi %add3A_1273, %sub3A_1442 : vector<16xi32>
      scf.yield %add3A_1443 : vector<16xi32>
    }
    %scan3A_72 = arith.constant 128 : i32
    %and3A = arith.constant 65535 : i32
    %and3A_73 = vector.broadcast %and3A : i32 to vector<16xi32>
    %and3A_74 = arith.andi %scan3A_71, %and3A_73 : vector<16xi32>
    %shift_right_arithmetic3A = arith.constant 16 : i32
    %shift_right_arithmetic3A_75 = vector.broadcast %shift_right_arithmetic3A : i32 to vector<16xi32>
    %shift_right_arithmetic3A_76 = arith.shrsi %scan3A_71, %shift_right_arithmetic3A_75 : vector<16xi32>
    %dma_start3A_77 = tpu.memref_slice %arg4[%mul3A_0] : memref<32768xi32, #tpu.memory_space<hbm>> -> memref<2048xi32, #tpu.memory_space<hbm>>
    %dma_start3A_78 = tpu.memref_slice %arg4[%mul3A_0] : memref<32768xi32, #tpu.memory_space<hbm>> -> memref<2048xi32, #tpu.memory_space<hbm>>
    tpu.enqueue_dma source(%arg9 : memref<2048xi32, #tpu.memory_space<vmem>>) target(%dma_start3A_78 : memref<2048xi32, #tpu.memory_space<hbm>>) target_semaphore(%arg13 : memref<!tpu.dma_semaphore, #tpu.memory_space<semaphore_mem>>)
    %swap3A = arith.constant 0 : i32
    %swap3A_79 = arith.index_cast %swap3A : i32 to index
    %swap3A_80 = arith.constant 0 : index
    %swap3A_81 = tpu.vector_load %arg10[%swap3A_79, %swap3A_80] {strides = array<i32>} : memref<2x16xi32, #tpu.memory_space<vmem>>, vector<16xi32>,
    tpu.vector_store %arg10[%swap3A_79, %swap3A_80], %and3A_74 {strides = array<i32>} : memref<2x16xi32, #tpu.memory_space<vmem>>, vector<16xi32>,
    %swap3A_82 = arith.constant 1 : i32
    %swap3A_83 = arith.index_cast %swap3A_82 : i32 to index
    %swap3A_84 = arith.constant 0 : index
    %swap3A_85 = tpu.vector_load %arg10[%swap3A_83, %swap3A_84] {strides = array<i32>} : memref<2x16xi32, #tpu.memory_space<vmem>>, vector<16xi32>,
    tpu.vector_store %arg10[%swap3A_83, %swap3A_84], %shift_right_arithmetic3A_76 {strides = array<i32>} : memref<2x16xi32, #tpu.memory_space<vmem>>, vector<16xi32>,
    "tpu.region"() ({
      %run_scoped3A = tpu.sem_alloc : memref<!tpu.dma_semaphore, #tpu.memory_space<semaphore_mem>>
      %dma_start3A_91 = arith.constant 0 : i32
      %dma_start3A_92 = arith.constant 0 : i32
      %dma_start3A_93 = tpu.memref_slice %arg6[%arg1, %dma_start3A_91, %dma_start3A_92] : memref<16x2x16xi32, #tpu.memory_space<hbm>> -> memref<1x2x16xi32, #tpu.memory_space<hbm>>
      %dma_start3A_94 = tpu.memref_squeeze %dma_start3A_93 : memref<1x2x16xi32, #tpu.memory_space<hbm>> -> memref<2x16xi32, #tpu.memory_space<hbm>>
      %dma_start3A_95 = arith.constant 0 : i32
      %dma_start3A_96 = arith.constant 0 : i32
      %dma_start3A_97 = tpu.memref_slice %arg6[%arg1, %dma_start3A_95, %dma_start3A_96] : memref<16x2x16xi32, #tpu.memory_space<hbm>> -> memref<1x2x16xi32, #tpu.memory_space<hbm>>
      %dma_start3A_98 = tpu.memref_squeeze %dma_start3A_97 : memref<1x2x16xi32, #tpu.memory_space<hbm>> -> memref<2x16xi32, #tpu.memory_space<hbm>>
      tpu.enqueue_dma source(%arg10 : memref<2x16xi32, #tpu.memory_space<vmem>>) target(%dma_start3A_98 : memref<2x16xi32, #tpu.memory_space<hbm>>) target_semaphore(%run_scoped3A : memref<!tpu.dma_semaphore, #tpu.memory_space<semaphore_mem>>)
      %dma_wait3A_99 = arith.constant 0 : i32
      %dma_wait3A_100 = arith.constant 0 : i32
      %dma_wait3A_101 = tpu.memref_slice %arg6[%arg1, %dma_wait3A_99, %dma_wait3A_100] : memref<16x2x16xi32, #tpu.memory_space<hbm>> -> memref<1x2x16xi32, #tpu.memory_space<hbm>>
      %dma_wait3A_102 = tpu.memref_squeeze %dma_wait3A_101 : memref<1x2x16xi32, #tpu.memory_space<hbm>> -> memref<2x16xi32, #tpu.memory_space<hbm>>
      %dma_wait3A_103 = arith.constant 0 : i32
      %dma_wait3A_104 = arith.constant 0 : i32
      %dma_wait3A_105 = tpu.memref_slice %arg6[%arg1, %dma_wait3A_103, %dma_wait3A_104] : memref<16x2x16xi32, #tpu.memory_space<hbm>> -> memref<1x2x16xi32, #tpu.memory_space<hbm>>
      %dma_wait3A_106 = tpu.memref_squeeze %dma_wait3A_105 : memref<1x2x16xi32, #tpu.memory_space<hbm>> -> memref<2x16xi32, #tpu.memory_space<hbm>>
      tpu.wait_dma2 semaphore(%run_scoped3A : memref<!tpu.dma_semaphore, #tpu.memory_space<semaphore_mem>>) src(%arg10 : memref<2x16xi32, #tpu.memory_space<vmem>>) dst(%dma_wait3A_106 : memref<2x16xi32, #tpu.memory_space<hbm>>)
      tpu.yield
    }) : () -> ()
    %barrier3A = arith.constant 0 : index
    tpu.barrier barrier_id(%barrier3A)
    %eq3A_86 = arith.constant 0 : i32
    %eq3A_87 = arith.cmpi eq, %arg1, %eq3A_86 : i32
    %convert_element_type3A = arith.extui %eq3A_87 : i1 to i32
    %cond3A = arith.constant 0 : i32
    %cond3A_88 = arith.cmpi ne, %convert_element_type3A, %cond3A : i32
    scf.if %cond3A_88 {
      "tpu.region"() ({
        %run_scoped3A = tpu.sem_alloc : memref<!tpu.dma_semaphore, #tpu.memory_space<semaphore_mem>>
        tpu.enqueue_dma source(%arg6 : memref<16x2x16xi32, #tpu.memory_space<hbm>>) target(%arg11 : memref<16x2x16xi32, #tpu.memory_space<vmem>>) target_semaphore(%run_scoped3A : memref<!tpu.dma_semaphore, #tpu.memory_space<semaphore_mem>>)
        tpu.wait_dma2 semaphore(%run_scoped3A : memref<!tpu.dma_semaphore, #tpu.memory_space<semaphore_mem>>) src(%arg6 : memref<16x2x16xi32, #tpu.memory_space<hbm>>) dst(%arg11 : memref<16x2x16xi32, #tpu.memory_space<vmem>>)
        tpu.yield
      }) : () -> ()
      %broadcast_in_dim3A_91 = arith.constant 0 : i32
      %broadcast_in_dim3A_92 = vector.broadcast %broadcast_in_dim3A_91 : i32 to vector<16xi32>
      %broadcast_in_dim3A_93 = arith.constant 0 : i32
      %broadcast_in_dim3A_94 = vector.broadcast %broadcast_in_dim3A_93 : i32 to vector<16xi32>
      %get3A_95 = arith.constant 0 : i32
      %get3A_96 = arith.constant 0 : i32
      %get3A_97 = arith.index_cast %get3A_95 : i32 to index
      %get3A_98 = arith.index_cast %get3A_96 : i32 to index
      %get3A_99 = arith.constant 0 : index
      %get3A_100 = tpu.vector_load %arg11[%get3A_97, %get3A_98, %get3A_99] {strides = array<i32>} : memref<16x2x16xi32, #tpu.memory_space<vmem>>, vector<16xi32>,
      %add3A_101 = arith.addi %broadcast_in_dim3A_92, %get3A_100 : vector<16xi32>
      %get3A_102 = arith.constant 0 : i32
      %get3A_103 = arith.constant 1 : i32
      %get3A_104 = arith.index_cast %get3A_102 : i32 to index
      %get3A_105 = arith.index_cast %get3A_103 : i32 to index
      %get3A_106 = arith.constant 0 : index
      %get3A_107 = tpu.vector_load %arg11[%get3A_104, %get3A_105, %get3A_106] {strides = array<i32>} : memref<16x2x16xi32, #tpu.memory_space<vmem>>, vector<16xi32>,
      %add3A_108 = arith.addi %broadcast_in_dim3A_94, %get3A_107 : vector<16xi32>
      %get3A_109 = arith.constant 1 : i32
      %get3A_110 = arith.constant 0 : i32
      %get3A_111 = arith.index_cast %get3A_109 : i32 to index
      %get3A_112 = arith.index_cast %get3A_110 : i32 to index
      %get3A_113 = arith.constant 0 : index
      %get3A_114 = tpu.vector_load %arg11[%get3A_111, %get3A_112, %get3A_113] {strides = array<i32>} : memref<16x2x16xi32, #tpu.memory_space<vmem>>, vector<16xi32>,
      %add3A_115 = arith.addi %add3A_101, %get3A_114 : vector<16xi32>
      %get3A_116 = arith.constant 1 : i32
      %get3A_117 = arith.constant 1 : i32
      %get3A_118 = arith.index_cast %get3A_116 : i32 to index
      %get3A_119 = arith.index_cast %get3A_117 : i32 to index
      %get3A_120 = arith.constant 0 : index
      %get3A_121 = tpu.vector_load %arg11[%get3A_118, %get3A_119, %get3A_120] {strides = array<i32>} : memref<16x2x16xi32, #tpu.memory_space<vmem>>, vector<16xi32>,
      %add3A_122 = arith.addi %add3A_108, %get3A_121 : vector<16xi32>
      %get3A_123 = arith.constant 2 : i32
      %get3A_124 = arith.constant 0 : i32
      %get3A_125 = arith.index_cast %get3A_123 : i32 to index
      %get3A_126 = arith.index_cast %get3A_124 : i32 to index
      %get3A_127 = arith.constant 0 : index
      %get3A_128 = tpu.vector_load %arg11[%get3A_125, %get3A_126, %get3A_127] {strides = array<i32>} : memref<16x2x16xi32, #tpu.memory_space<vmem>>, vector<16xi32>,
      %add3A_129 = arith.addi %add3A_115, %get3A_128 : vector<16xi32>
      %get3A_130 = arith.constant 2 : i32
      %get3A_131 = arith.constant 1 : i32
      %get3A_132 = arith.index_cast %get3A_130 : i32 to index
      %get3A_133 = arith.index_cast %get3A_131 : i32 to index
      %get3A_134 = arith.constant 0 : index
      %get3A_135 = tpu.vector_load %arg11[%get3A_132, %get3A_133, %get3A_134] {strides = array<i32>} : memref<16x2x16xi32, #tpu.memory_space<vmem>>, vector<16xi32>,
      %add3A_136 = arith.addi %add3A_122, %get3A_135 : vector<16xi32>
      %get3A_137 = arith.constant 3 : i32
      %get3A_138 = arith.constant 0 : i32
      %get3A_139 = arith.index_cast %get3A_137 : i32 to index
      %get3A_140 = arith.index_cast %get3A_138 : i32 to index
      %get3A_141 = arith.constant 0 : index
      %get3A_142 = tpu.vector_load %arg11[%get3A_139, %get3A_140, %get3A_141] {strides = array<i32>} : memref<16x2x16xi32, #tpu.memory_space<vmem>>, vector<16xi32>,
      %add3A_143 = arith.addi %add3A_129, %get3A_142 : vector<16xi32>
      %get3A_144 = arith.constant 3 : i32
      %get3A_145 = arith.constant 1 : i32
      %get3A_146 = arith.index_cast %get3A_144 : i32 to index
      %get3A_147 = arith.index_cast %get3A_145 : i32 to index
      %get3A_148 = arith.constant 0 : index
      %get3A_149 = tpu.vector_load %arg11[%get3A_146, %get3A_147, %get3A_148] {strides = array<i32>} : memref<16x2x16xi32, #tpu.memory_space<vmem>>, vector<16xi32>,
      %add3A_150 = arith.addi %add3A_136, %get3A_149 : vector<16xi32>
      %get3A_151 = arith.constant 4 : i32
      %get3A_152 = arith.constant 0 : i32
      %get3A_153 = arith.index_cast %get3A_151 : i32 to index
      %get3A_154 = arith.index_cast %get3A_152 : i32 to index
      %get3A_155 = arith.constant 0 : index
      %get3A_156 = tpu.vector_load %arg11[%get3A_153, %get3A_154, %get3A_155] {strides = array<i32>} : memref<16x2x16xi32, #tpu.memory_space<vmem>>, vector<16xi32>,
      %add3A_157 = arith.addi %add3A_143, %get3A_156 : vector<16xi32>
      %get3A_158 = arith.constant 4 : i32
      %get3A_159 = arith.constant 1 : i32
      %get3A_160 = arith.index_cast %get3A_158 : i32 to index
      %get3A_161 = arith.index_cast %get3A_159 : i32 to index
      %get3A_162 = arith.constant 0 : index
      %get3A_163 = tpu.vector_load %arg11[%get3A_160, %get3A_161, %get3A_162] {strides = array<i32>} : memref<16x2x16xi32, #tpu.memory_space<vmem>>, vector<16xi32>,
      %add3A_164 = arith.addi %add3A_150, %get3A_163 : vector<16xi32>
      %get3A_165 = arith.constant 5 : i32
      %get3A_166 = arith.constant 0 : i32
      %get3A_167 = arith.index_cast %get3A_165 : i32 to index
      %get3A_168 = arith.index_cast %get3A_166 : i32 to index
      %get3A_169 = arith.constant 0 : index
      %get3A_170 = tpu.vector_load %arg11[%get3A_167, %get3A_168, %get3A_169] {strides = array<i32>} : memref<16x2x16xi32, #tpu.memory_space<vmem>>, vector<16xi32>,
      %add3A_171 = arith.addi %add3A_157, %get3A_170 : vector<16xi32>
      %get3A_172 = arith.constant 5 : i32
      %get3A_173 = arith.constant 1 : i32
      %get3A_174 = arith.index_cast %get3A_172 : i32 to index
      %get3A_175 = arith.index_cast %get3A_173 : i32 to index
      %get3A_176 = arith.constant 0 : index
      %get3A_177 = tpu.vector_load %arg11[%get3A_174, %get3A_175, %get3A_176] {strides = array<i32>} : memref<16x2x16xi32, #tpu.memory_space<vmem>>, vector<16xi32>,
      %add3A_178 = arith.addi %add3A_164, %get3A_177 : vector<16xi32>
      %get3A_179 = arith.constant 6 : i32
      %get3A_180 = arith.constant 0 : i32
      %get3A_181 = arith.index_cast %get3A_179 : i32 to index
      %get3A_182 = arith.index_cast %get3A_180 : i32 to index
      %get3A_183 = arith.constant 0 : index
      %get3A_184 = tpu.vector_load %arg11[%get3A_181, %get3A_182, %get3A_183] {strides = array<i32>} : memref<16x2x16xi32, #tpu.memory_space<vmem>>, vector<16xi32>,
      %add3A_185 = arith.addi %add3A_171, %get3A_184 : vector<16xi32>
      %get3A_186 = arith.constant 6 : i32
      %get3A_187 = arith.constant 1 : i32
      %get3A_188 = arith.index_cast %get3A_186 : i32 to index
      %get3A_189 = arith.index_cast %get3A_187 : i32 to index
      %get3A_190 = arith.constant 0 : index
      %get3A_191 = tpu.vector_load %arg11[%get3A_188, %get3A_189, %get3A_190] {strides = array<i32>} : memref<16x2x16xi32, #tpu.memory_space<vmem>>, vector<16xi32>,
      %add3A_192 = arith.addi %add3A_178, %get3A_191 : vector<16xi32>
      %get3A_193 = arith.constant 7 : i32
      %get3A_194 = arith.constant 0 : i32
      %get3A_195 = arith.index_cast %get3A_193 : i32 to index
      %get3A_196 = arith.index_cast %get3A_194 : i32 to index
      %get3A_197 = arith.constant 0 : index
      %get3A_198 = tpu.vector_load %arg11[%get3A_195, %get3A_196, %get3A_197] {strides = array<i32>} : memref<16x2x16xi32, #tpu.memory_space<vmem>>, vector<16xi32>,
      %add3A_199 = arith.addi %add3A_185, %get3A_198 : vector<16xi32>
      %get3A_200 = arith.constant 7 : i32
      %get3A_201 = arith.constant 1 : i32
      %get3A_202 = arith.index_cast %get3A_200 : i32 to index
      %get3A_203 = arith.index_cast %get3A_201 : i32 to index
      %get3A_204 = arith.constant 0 : index
      %get3A_205 = tpu.vector_load %arg11[%get3A_202, %get3A_203, %get3A_204] {strides = array<i32>} : memref<16x2x16xi32, #tpu.memory_space<vmem>>, vector<16xi32>,
      %add3A_206 = arith.addi %add3A_192, %get3A_205 : vector<16xi32>
      %get3A_207 = arith.constant 8 : i32
      %get3A_208 = arith.constant 0 : i32
      %get3A_209 = arith.index_cast %get3A_207 : i32 to index
      %get3A_210 = arith.index_cast %get3A_208 : i32 to index
      %get3A_211 = arith.constant 0 : index
      %get3A_212 = tpu.vector_load %arg11[%get3A_209, %get3A_210, %get3A_211] {strides = array<i32>} : memref<16x2x16xi32, #tpu.memory_space<vmem>>, vector<16xi32>,
      %add3A_213 = arith.addi %add3A_199, %get3A_212 : vector<16xi32>
      %get3A_214 = arith.constant 8 : i32
      %get3A_215 = arith.constant 1 : i32
      %get3A_216 = arith.index_cast %get3A_214 : i32 to index
      %get3A_217 = arith.index_cast %get3A_215 : i32 to index
      %get3A_218 = arith.constant 0 : index
      %get3A_219 = tpu.vector_load %arg11[%get3A_216, %get3A_217, %get3A_218] {strides = array<i32>} : memref<16x2x16xi32, #tpu.memory_space<vmem>>, vector<16xi32>,
      %add3A_220 = arith.addi %add3A_206, %get3A_219 : vector<16xi32>
      %get3A_221 = arith.constant 9 : i32
      %get3A_222 = arith.constant 0 : i32
      %get3A_223 = arith.index_cast %get3A_221 : i32 to index
      %get3A_224 = arith.index_cast %get3A_222 : i32 to index
      %get3A_225 = arith.constant 0 : index
      %get3A_226 = tpu.vector_load %arg11[%get3A_223, %get3A_224, %get3A_225] {strides = array<i32>} : memref<16x2x16xi32, #tpu.memory_space<vmem>>, vector<16xi32>,
      %add3A_227 = arith.addi %add3A_213, %get3A_226 : vector<16xi32>
      %get3A_228 = arith.constant 9 : i32
      %get3A_229 = arith.constant 1 : i32
      %get3A_230 = arith.index_cast %get3A_228 : i32 to index
      %get3A_231 = arith.index_cast %get3A_229 : i32 to index
      %get3A_232 = arith.constant 0 : index
      %get3A_233 = tpu.vector_load %arg11[%get3A_230, %get3A_231, %get3A_232] {strides = array<i32>} : memref<16x2x16xi32, #tpu.memory_space<vmem>>, vector<16xi32>,
      %add3A_234 = arith.addi %add3A_220, %get3A_233 : vector<16xi32>
      %get3A_235 = arith.constant 10 : i32
      %get3A_236 = arith.constant 0 : i32
      %get3A_237 = arith.index_cast %get3A_235 : i32 to index
      %get3A_238 = arith.index_cast %get3A_236 : i32 to index
      %get3A_239 = arith.constant 0 : index
      %get3A_240 = tpu.vector_load %arg11[%get3A_237, %get3A_238, %get3A_239] {strides = array<i32>} : memref<16x2x16xi32, #tpu.memory_space<vmem>>, vector<16xi32>,
      %add3A_241 = arith.addi %add3A_227, %get3A_240 : vector<16xi32>
      %get3A_242 = arith.constant 10 : i32
      %get3A_243 = arith.constant 1 : i32
      %get3A_244 = arith.index_cast %get3A_242 : i32 to index
      %get3A_245 = arith.index_cast %get3A_243 : i32 to index
      %get3A_246 = arith.constant 0 : index
      %get3A_247 = tpu.vector_load %arg11[%get3A_244, %get3A_245, %get3A_246] {strides = array<i32>} : memref<16x2x16xi32, #tpu.memory_space<vmem>>, vector<16xi32>,
      %add3A_248 = arith.addi %add3A_234, %get3A_247 : vector<16xi32>
      %get3A_249 = arith.constant 11 : i32
      %get3A_250 = arith.constant 0 : i32
      %get3A_251 = arith.index_cast %get3A_249 : i32 to index
      %get3A_252 = arith.index_cast %get3A_250 : i32 to index
      %get3A_253 = arith.constant 0 : index
      %get3A_254 = tpu.vector_load %arg11[%get3A_251, %get3A_252, %get3A_253] {strides = array<i32>} : memref<16x2x16xi32, #tpu.memory_space<vmem>>, vector<16xi32>,
      %add3A_255 = arith.addi %add3A_241, %get3A_254 : vector<16xi32>
      %get3A_256 = arith.constant 11 : i32
      %get3A_257 = arith.constant 1 : i32
      %get3A_258 = arith.index_cast %get3A_256 : i32 to index
      %get3A_259 = arith.index_cast %get3A_257 : i32 to index
      %get3A_260 = arith.constant 0 : index
      %get3A_261 = tpu.vector_load %arg11[%get3A_258, %get3A_259, %get3A_260] {strides = array<i32>} : memref<16x2x16xi32, #tpu.memory_space<vmem>>, vector<16xi32>,
      %add3A_262 = arith.addi %add3A_248, %get3A_261 : vector<16xi32>
      %get3A_263 = arith.constant 12 : i32
      %get3A_264 = arith.constant 0 : i32
      %get3A_265 = arith.index_cast %get3A_263 : i32 to index
      %get3A_266 = arith.index_cast %get3A_264 : i32 to index
      %get3A_267 = arith.constant 0 : index
      %get3A_268 = tpu.vector_load %arg11[%get3A_265, %get3A_266, %get3A_267] {strides = array<i32>} : memref<16x2x16xi32, #tpu.memory_space<vmem>>, vector<16xi32>,
      %add3A_269 = arith.addi %add3A_255, %get3A_268 : vector<16xi32>
      %get3A_270 = arith.constant 12 : i32
      %get3A_271 = arith.constant 1 : i32
      %get3A_272 = arith.index_cast %get3A_270 : i32 to index
      %get3A_273 = arith.index_cast %get3A_271 : i32 to index
      %get3A_274 = arith.constant 0 : index
      %get3A_275 = tpu.vector_load %arg11[%get3A_272, %get3A_273, %get3A_274] {strides = array<i32>} : memref<16x2x16xi32, #tpu.memory_space<vmem>>, vector<16xi32>,
      %add3A_276 = arith.addi %add3A_262, %get3A_275 : vector<16xi32>
      %get3A_277 = arith.constant 13 : i32
      %get3A_278 = arith.constant 0 : i32
      %get3A_279 = arith.index_cast %get3A_277 : i32 to index
      %get3A_280 = arith.index_cast %get3A_278 : i32 to index
      %get3A_281 = arith.constant 0 : index
      %get3A_282 = tpu.vector_load %arg11[%get3A_279, %get3A_280, %get3A_281] {strides = array<i32>} : memref<16x2x16xi32, #tpu.memory_space<vmem>>, vector<16xi32>,
      %add3A_283 = arith.addi %add3A_269, %get3A_282 : vector<16xi32>
      %get3A_284 = arith.constant 13 : i32
      %get3A_285 = arith.constant 1 : i32
      %get3A_286 = arith.index_cast %get3A_284 : i32 to index
      %get3A_287 = arith.index_cast %get3A_285 : i32 to index
      %get3A_288 = arith.constant 0 : index
      %get3A_289 = tpu.vector_load %arg11[%get3A_286, %get3A_287, %get3A_288] {strides = array<i32>} : memref<16x2x16xi32, #tpu.memory_space<vmem>>, vector<16xi32>,
      %add3A_290 = arith.addi %add3A_276, %get3A_289 : vector<16xi32>
      %get3A_291 = arith.constant 14 : i32
      %get3A_292 = arith.constant 0 : i32
      %get3A_293 = arith.index_cast %get3A_291 : i32 to index
      %get3A_294 = arith.index_cast %get3A_292 : i32 to index
      %get3A_295 = arith.constant 0 : index
      %get3A_296 = tpu.vector_load %arg11[%get3A_293, %get3A_294, %get3A_295] {strides = array<i32>} : memref<16x2x16xi32, #tpu.memory_space<vmem>>, vector<16xi32>,
      %add3A_297 = arith.addi %add3A_283, %get3A_296 : vector<16xi32>
      %get3A_298 = arith.constant 14 : i32
      %get3A_299 = arith.constant 1 : i32
      %get3A_300 = arith.index_cast %get3A_298 : i32 to index
      %get3A_301 = arith.index_cast %get3A_299 : i32 to index
      %get3A_302 = arith.constant 0 : index
      %get3A_303 = tpu.vector_load %arg11[%get3A_300, %get3A_301, %get3A_302] {strides = array<i32>} : memref<16x2x16xi32, #tpu.memory_space<vmem>>, vector<16xi32>,
      %add3A_304 = arith.addi %add3A_290, %get3A_303 : vector<16xi32>
      %get3A_305 = arith.constant 15 : i32
      %get3A_306 = arith.constant 0 : i32
      %get3A_307 = arith.index_cast %get3A_305 : i32 to index
      %get3A_308 = arith.index_cast %get3A_306 : i32 to index
      %get3A_309 = arith.constant 0 : index
      %get3A_310 = tpu.vector_load %arg11[%get3A_307, %get3A_308, %get3A_309] {strides = array<i32>} : memref<16x2x16xi32, #tpu.memory_space<vmem>>, vector<16xi32>,
      %add3A_311 = arith.addi %add3A_297, %get3A_310 : vector<16xi32>
      %get3A_312 = arith.constant 15 : i32
      %get3A_313 = arith.constant 1 : i32
      %get3A_314 = arith.index_cast %get3A_312 : i32 to index
      %get3A_315 = arith.index_cast %get3A_313 : i32 to index
      %get3A_316 = arith.constant 0 : index
      %get3A_317 = tpu.vector_load %arg11[%get3A_314, %get3A_315, %get3A_316] {strides = array<i32>} : memref<16x2x16xi32, #tpu.memory_space<vmem>>, vector<16xi32>,
      %add3A_318 = arith.addi %add3A_304, %get3A_317 : vector<16xi32>
      %convert_element_type3A_319 = arith.sitofp %add3A_311 : vector<16xi32> to vector<16xf32>
      %convert_element_type3A_320 = arith.sitofp %add3A_318 : vector<16xi32> to vector<16xf32>
      %iota3A_321 = tpu.iota {dimensions = array<i32: 0>} : vector<16xi32>
      tpu.vector_store_idx %arg12[%iota3A_321, %broadcast_in_dim3A_67], %convert_element_type3A_319 : memref<16x3xf32, #tpu.memory_space<vmem>>[vector<16xi32>, vector<16xi32>], vector<16xf32>,
      %add3A_322 = arith.constant 1 : i32
      %add3A_323 = vector.broadcast %add3A_322 : i32 to vector<16xi32>
      %add3A_324 = arith.addi %broadcast_in_dim3A_67, %add3A_323 : vector<16xi32>
      tpu.vector_store_idx %arg12[%iota3A_321, %add3A_324], %convert_element_type3A_320 : memref<16x3xf32, #tpu.memory_space<vmem>>[vector<16xi32>, vector<16xi32>], vector<16xf32>,
      %add3A_325 = arith.constant 2 : i32
      %add3A_326 = vector.broadcast %add3A_325 : i32 to vector<16xi32>
      %add3A_327 = arith.addi %broadcast_in_dim3A_67, %add3A_326 : vector<16xi32>
      %add3A_328 = arith.addf %convert_element_type3A_319, %convert_element_type3A_320 : vector<16xf32>
      tpu.vector_store_idx %arg12[%iota3A_321, %add3A_327], %add3A_328 : memref<16x3xf32, #tpu.memory_space<vmem>>[vector<16xi32>, vector<16xi32>], vector<16xf32>,
      "tpu.region"() ({
        %run_scoped3A = tpu.sem_alloc : memref<!tpu.dma_semaphore, #tpu.memory_space<semaphore_mem>>
        tpu.enqueue_dma source(%arg12 : memref<16x3xf32, #tpu.memory_space<vmem>>) target(%arg5 : memref<16x3xf32, #tpu.memory_space<hbm>>) target_semaphore(%run_scoped3A : memref<!tpu.dma_semaphore, #tpu.memory_space<semaphore_mem>>)
        tpu.wait_dma2 semaphore(%run_scoped3A : memref<!tpu.dma_semaphore, #tpu.memory_space<semaphore_mem>>) src(%arg12 : memref<16x3xf32, #tpu.memory_space<vmem>>) dst(%arg5 : memref<16x3xf32, #tpu.memory_space<hbm>>)
        tpu.yield
      }) : () -> ()
    } else {
    }
    %dma_wait3A_89 = tpu.memref_slice %arg4[%mul3A_0] : memref<32768xi32, #tpu.memory_space<hbm>> -> memref<2048xi32, #tpu.memory_space<hbm>>
    %dma_wait3A_90 = tpu.memref_slice %arg4[%mul3A_0] : memref<32768xi32, #tpu.memory_space<hbm>> -> memref<2048xi32, #tpu.memory_space<hbm>>
    tpu.wait_dma2 semaphore(%arg13 : memref<!tpu.dma_semaphore, #tpu.memory_space<semaphore_mem>>) src(%arg9 : memref<2048xi32, #tpu.memory_space<vmem>>) dst(%dma_wait3A_90 : memref<2048xi32, #tpu.memory_space<hbm>>)
    return
  }
}

</mosaic_0001>

<sc_bundles>
// kernel: _run.3.cloned.1.call-start
scs
__scs_entry_jumppad:
0x0: {  	(pc) =	sbr.rel $0x88, $3  }
0x1: {  	(tag) =	ssettag $0x0;
	lr =	simm.s32 $0x1  }
0x2: {  	[smem:$0x3F9F] =	sst lr;
	_ =	strace $0xD0000000  }
0x3: {  	_ = 	snop  }
0x4: {  	_ = 	snop  }
0x5: {  	_ = 	snop  }
0x6: {  	_ = 	snop  }
0x7: {  	_ = 	snop  }
__scs_overlays_trampoline_lowered:
0x8: {  	[smem:$0x3FAE] =	sst s0  }
0x9: {  	[smem:$0x3FAF] =	sst s1  }
0xa: {  	[smem:$0x3FB0] =	sst s2  }
0xb: {  	[smem:$0x3FB1] =	sst s3  }
0xc: {  	[smem:$0x3FB2] =	sst s4  }
0xd: {  	[smem:$0x3FB3] =	sst s5  }
0xe: {  	[smem:$0x3FB4] =	sst s6  }
0xf: {  	[smem:$0x3FB5] =	sst s7  }
0x10: {  	[smem:$0x3FB6] =	sst s8  }
0x11: {  	[smem:$0x3FB7] =	sst s9;
	s0 =	simm.s32 @!p0 $0x0  }
0x12: {  	s1 =	sld [smem:$0x3F9D];
	s0 =	simm.s32 @p0 $0x1  }
0x13: {  	[smem:$0x3FB8] =	sst s0;
	s0 =	simm.s32 @!p1 $0x0  }
0x14: {  	s2 =	sld [smem:$0x3F9C];
	s0 =	simm.s32 @p1 $0x1  }
0x15: {  	[smem:$0x3FB9] =	sst s0;
	s0 =	simm.s32 @!p2 $0x0  }
0x16: {  	s3 =	sld [smem:$0x3FDB];
	s0 =	simm.s32 @p2 $0x1  }
0x17: {  	s4 =	simm.s32 $0x1BF5;
	[smem:$0x3FBB] =	sst s0  }
0x18: {  	s0 =	sld [smem:$0x3F9E];
	_ =	swait.ge [sflag:s4], $0x0  }
0x19: {  	s7 =	sld [smem:$0x3F9F]  }
0x1a: {  	s8 =	sadd.s32 $0xFFFFE003, lr  }
0x1b: {  	s9 =	sadd.s32 $0xFFFFFEF7, lr;
	s5 =	simm.s32 $0xFFFFFFFF;
	p2 =	slt.u32 s8, $0xFFFFF086  }
0x1c: {  	p1 =	slt.u32 s9, $0xF7A;
	s5 =	simm.s32 @!p2 $0x0  }
0x1d: {  	s5 =	simm.s32 @p1 $0x1;
	p0 =	seq.s32 s7, s2  }
0x1e: {  	s7 =	smul.u32 @!p0 $0xF7A, s2;
	p2 =	seq.s32 @!p0 s5, $0x0  }
0x1f: {  	s9 =	smul.u32 $0xF7A, s1;
	s8 =	simm.s32 @!p0 $0x1BF5;
	p2 =	por !p2, p0  }
0x20: {  	[sflag:s8] =	ssyncset.s32 @!p0 $0xFFFFF086;
	s6 =	sadd.s32 @!p0 s3, s7;
	s7 =	simm.s32 @!p0 $0x108  }
0x21: {  	s3 =	sadd.s32 s3, s9;
	s6 =	sadd.s32 @!p0 $0x88, s6;
	s7 =	simm.s32 @p2 $0x1082  }
0x22: {  	[simem:s7], [sflag:s8] =	dma.local @!p0 [hbm:s6], $0xF7A  }
0x23: {  	s9 =	sor.u32 $0xD0000000, s2;
	s6 =	simm.s32 $0x108;
	_ =	swait.ge @!p0 [sflag:s8], $0x0  }
0x24: {  	s3 =	sadd.s32 $0x88, s3;
	s6 =	simm.s32 @!p1 $0x1082;
	[sflag:s4] =	ssyncset.s32 $0xFFFFF086  }
0x25: {  	[simem:s6], [sflag:s4] =	dma.local [hbm:s3], $0xF7A  }
0x26: {  	[smem:$0x3F9F] =	sst s1;
	(tag) =	ssettag s2;
	_ =	strace s9  }
0x27: {  	s1 =	sld [smem:$0x3FAF]  }
0x28: {  	s2 =	sld [smem:$0x3FB0]  }
0x29: {  	s4 =	sld [smem:$0x3FB2]  }
0x2a: {  	p0 =	seq.s32 s5, $0x0;
	s5 =	sld [smem:$0x3FB3]  }
0x2b: {  	s6 =	sld [smem:$0x3FB4]  }
0x2c: {  	s7 =	sld [smem:$0x3FB5]  }
0x2d: {  	s3 =	simm.s32 $0x108;
	s8 =	sld [smem:$0x3FB6]  }
0x2e: {  	s3 =	simm.s32 @!p0 $0x1082;
	s9 =	sld [smem:$0x3FB7]  }
0x2f: {  	lr =	sadd.s32 s0, s3;
	s0 =	sld [smem:$0x3FAE]  }
0x30: {  	s3 =	sld [smem:$0x3FB1]  }
0x31: {  	[smem:$0x3FBA] =	sst s10  }
0x32: {  	s10 =	sld [smem:$0x3FB8];
	_ =	sdelay $0x3  }
0x33: {  	p0 =	seq.s32 s10, $0x1;
	s10 =	sld [smem:$0x3FBA];
	_ =	sdelay $0x3  }
0x34: {  	[smem:$0x3FBA] =	sst s10  }
0x35: {  	s10 =	sld [smem:$0x3FB9];
	_ =	sdelay $0x3  }
0x36: {  	p1 =	seq.s32 s10, $0x1;
	s10 =	sld [smem:$0x3FBA];
	_ =	sdelay $0x3  }
0x37: {  	[smem:$0x3FBA] =	sst s10  }
0x38: {  	s10 =	sld [smem:$0x3FBB]  }
0x39: {  	_ = 	snop;
	(pc) =	sbr.ind lr, $3  }
0x3a: {  	_ = 	snop  }
0x3b: {  	_ = 	snop  }
0x3c: {  	p2 =	seq.s32 s10, $0x1;
	s10 =	sld [smem:$0x3FBA]  }
0x3d: {  	_ =	shalt  }
0x3e: {  	_ =	shalt  }
0x3f: {  	_ =	shalt  }
0x40: {  	_ =	shalt  }
0x41: {  	_ =	shalt  }
0x42: {  	_ =	shalt  }
0x43: {  	_ =	shalt  }
0x44: {  	_ =	shalt  }
0x45: {  	_ =	shalt  }
0x46: {  	_ =	shalt  }
0x47: {  	_ =	shalt  }
0x48: {  	_ =	shalt  }
0x49: {  	_ =	shalt  }
0x4a: {  	_ =	shalt  }
0x4b: {  	_ =	shalt  }
0x4c: {  	_ =	shalt  }
0x4d: {  	_ =	shalt  }
0x4e: {  	_ =	shalt  }
0x4f: {  	_ =	shalt  }
0x50: {  	_ =	shalt  }
0x51: {  	_ =	shalt  }
0x52: {  	_ =	shalt  }
0x53: {  	_ =	shalt  }
0x54: {  	_ =	shalt  }
0x55: {  	_ =	shalt  }
0x56: {  	_ =	shalt  }
0x57: {  	_ =	shalt  }
0x58: {  	_ =	shalt  }
0x59: {  	_ =	shalt  }
0x5a: {  	_ =	shalt  }
0x5b: {  	_ =	shalt  }
0x5c: {  	_ =	shalt  }
0x5d: {  	_ =	shalt  }
0x5e: {  	_ =	shalt  }
0x5f: {  	_ =	shalt  }
0x60: {  	_ =	shalt  }
0x61: {  	_ =	shalt  }
0x62: {  	_ =	shalt  }
0x63: {  	_ =	shalt  }
0x64: {  	_ =	shalt  }
0x65: {  	_ =	shalt  }
0x66: {  	_ =	shalt  }
0x67: {  	_ =	shalt  }
0x68: {  	_ =	shalt  }
0x69: {  	_ =	shalt  }
0x6a: {  	_ =	shalt  }
0x6b: {  	_ =	shalt  }
0x6c: {  	_ =	shalt  }
0x6d: {  	_ =	shalt  }
0x6e: {  	_ =	shalt  }
0x6f: {  	_ =	shalt  }
0x70: {  	_ =	shalt  }
0x71: {  	_ =	shalt  }
0x72: {  	_ =	shalt  }
0x73: {  	_ =	shalt  }
0x74: {  	_ =	shalt  }
0x75: {  	_ =	shalt  }
0x76: {  	_ =	shalt  }
0x77: {  	_ =	shalt  }
0x78: {  	_ =	shalt  }
0x79: {  	_ =	shalt  }
0x7a: {  	_ =	shalt  }
0x7b: {  	_ =	shalt  }
0x7c: {  	_ =	shalt  }
0x7d: {  	_ =	shalt  }
0x7e: {  	_ =	shalt  }
0x7f: {  	_ =	shalt  }
0x80: {  	_ =	shalt  }
0x81: {  	_ =	shalt  }
0x82: {  	_ =	shalt  }
0x83: {  	_ =	shalt  }
0x84: {  	_ =	shalt  }
0x85: {  	_ =	shalt  }
0x86: {  	_ =	shalt  }
0x87: {  	_ =	shalt  }
.Lfunc_end0:
.L_simem_size_0:
called_computation_lowered:
.L_overlay_start_0:
0x88: {  	s0 =	sld [smem:$0x3FD9]  }
0x89: {  	s1 =	sld [smem:$0x3FFE];
	_ =	sdelay $0x3  }
0x8a: {  	s0 =	sadd.s32 s1, s0  }
0x8b: {  	[smem:$0x3FC6] =	sst s0  }
0x8c: {  	_ = 	snop  }
0x8d: {  	s0 =	sld [smem:$0x3FD0];
	_ =	sdelay $0x1  }
0x8e: {  	s13 =	sld [smem:$0x3FC9]  }
0x8f: {  	s3 =	simm.s32 $0xA;
	s4 =	simm.s32 $0x10;
	s2 =	sld [smem:$0x3FC8]  }
0x90: {  	[smem:s4], [sflag:s3] =	dma.local [hbm:s0], $0x1  }
0x91: {  	_ =	swait.eq [sflag:s3], $0x1  }
0x92: {  	[sflag:s3] =	ssyncset.done $0x0  }
0x93: {  	s14 =	sld [smem:$0x10];
	[sflag:s3] =	ssyncadd.s32 $0xFFFFFFFF  }
0x94: {  	s15 =	sld [smem:$0x12];
	(tm) =	ssettm $0x1  }
0x95: {  	s16 =	sld [smem:$0x3FFB];
	_ =	sdelay $0x3  }
0x96: {  	_ =	strace s16  }
0x97: {  	s4 =	sld [smem:$0x3FFC];
	_ =	sdelay $0x3  }
0x98: {  	_ =	strace s4  }
0x99: {  	s4 =	sld [smem:$0x3FFD];
	_ =	sdelay $0x3  }
0x9a: {  	_ =	strace s4  }
0x9b: {  	_ =	strace $0x8FFFFFFF  }
0x9c: {  	s17 =	sld [smem:$0x3FDB];
	_ =	sdelay $0x1  }
0x9d: {  	s5 =	simm.s32 $_scs_section_size  }
0x9e: {  	s6 =	simm.s32 $_size__tile_overlayer_lowered;
	s7 =	simm.s32 $_tile_overlayer_lowered  }
0x9f: {  	s20 =	simm.s32 $0x1BFF;
	s19 =	sshll.u32 s7, $0x1;
	s4 =	sadd.s32 s5, s17  }
0xa0: {  	s8 =	simm.s32 $0x0;
	s18 =	sshll.u32 s6, $0x1;
	s6 =	sadd.s32 s19, s4  }
0xa1: {  	[timem:s8], [sflag:s20] =	dma.local [hbm:s6], s18  }
0xa2: {  	_ =	swait.ge [sflag:s20], s18  }
0xa3: {  	s5 =	ssub.s32 $0x0, s18;
	[sflag:s20] =	ssyncset.done $0x0  }
0xa4: {  	[sflag:s20] =	ssyncadd.s32 s5;
	_ =	sdelay $0x1  }
0xa5: {  	s21 =	simm.s32 $0x1B8B  }
0xa6: {  	_ =	swait.ge [sflag:s21], $0x1  }
0xa7: {  	[sflag:s21] =	ssyncset.done $0x0  }
0xa8: {  	s23 =	simm.s32 $0x1B8E;
	s22 =	sld [smem:$0x3FFE];
	[sflag:s21] =	ssyncadd.s32 $0xFFFFFFFF  }
0xa9: {  	s24 =	simm.s32 $execute0_lowered;
	[smem:$0x3FD2] =	sst s23  }
0xaa: {  	s6 =	sshll.u32 s24, $0x1;
	_ =	strace $0x80000046;
	[dreg:$0x1] =	wrdreg $0xFFFFFFFF  }
0xab: {  	s25 =	simm.s32 $_size_execute0_lowered;
	s4 =	sadd.s32 s4, s6;
	[dreg:$0x0] =	wrdreg $0x0  }
0xac: {  	s6 =	sshll.u32 s25, $0x1;
	[dreg:$0x2] =	wrdreg s4  }
0xad: {  	[dreg:$0x3] =	wrdreg s6  }
0xae: {  	[dreg:$0x4] =	wrdreg $0xC0  }
0xaf: {  	_ =	task [dreg:s8], $0x5FFFF  }
0xb0: {  	[dreg:$0x1] =	wrdreg $0xFFFFFFFF  }
0xb1: {  	[dreg:$0x0] =	wrdreg $0x60  }
0xb2: {  	[dreg:$0x2] =	wrdreg s13  }
0xb3: {  	[dreg:$0x3] =	wrdreg s2  }
0xb4: {  	[dreg:$0x4] =	wrdreg s14  }
0xb5: {  	[dreg:$0x5] =	wrdreg s22  }
0xb6: {  	[dreg:$0x6] =	wrdreg s15  }
0xb7: {  	[dreg:$0x7] =	wrdreg $0x9  }
0xb8: {  	_ =	task.clear_ibuf [dreg:s8], $0x8FFFF;
	_ =	strace $0x90000046  }
0xb9: {  	s26 =	simm.s32 $0x9;
	_ =	strace $0x80000048  }
0xba: {  	_ =	swait.ge [sflag:s26], $0x1  }
0xbb: {  	[sflag:s26] =	ssyncadd.s32 $0xFFFFFFFF  }
0xbc: {  	_ =	strace $0x90000048  }
0xbd: {  	_ =	sfence  }
0xbe: {  	s28 =	sld [smem:$0x0];
	_ =	sdelay $0x1  }
0xbf: {  	s29 =	srdreg.scid  }
0xc0: {  	s30 =	sshll.u32 s29, $0xD;
	s31 =	sshrl.u32 s29, $0x2  }
0xc1: {  	s1 =	sand.u32 $0x1, s29;
	s2 =	sand.u32 $0x4000, s30;
	s0 =	sadd.s32 s31, s28  }
0xc2: {  	s1 =	sor.u32 s2, s1;
	s0 =	sshll.u32 s0, $0x11  }
0xc3: {  	s0 =	sor.u32 s0, s1  }
0xc4: {  	s0 =	sadd.s32 $0x8F2B, s0  }
0xc5: {  	[sflag:s0] =	ssyncadd.remote.s32 $0x1  }
0xc6: {  	_ =	sfence.sel $0xFFFF  }
0xc7: {  	[dreg:$0x0] =	wrdreg $0xFFFFFFFF;
	(pc) =	sbr.abs _section_cstart, $3  }
0xc8: {  	[dreg:$0x1] =	wrdreg $0xFFFFFFFF  }
0xc9: {  	_ =	task.clear_ibuf [dreg:s8], $0x2FFFF;
	_ =	strace $0x9FFFFFFF  }
0xca: {  	(tm) =	ssettm $0x7FFFFFFF  }
0xcb: {  	_ =	shalt  }
tec
execute0_lowered:
.L_overlay_start_1:
0x0: {  	(tag) =	ssettag $0x1  }
0x1: {  	s1 =	rddreg [dreg:$0x0]  }
0x2: {  	s6 =	rddreg [dreg:$0x1]  }
0x3: {  	s4 =	rddreg [dreg:$0x2]  }
0x4: {  	s7 =	rddreg [dreg:$0x3]  }
0x5: {  	s2 =	rddreg [dreg:$0x4]  }
0x6: {  	s0 =	rddreg [dreg:$0x5]  }
0x7: {  	s8 =	simm.s32 $0x0;
	s3 =	stileid.u32;
	s12 =	simm.s32 $0x10  }
0x8: {  	[smem:$0x7FF] =	sst s8;
	s9 =	sshll.u32 s3, $0xB;
	s5 =	sshll.u32 s3, $0x8  }
0x9: {  	_ =	strace $0x80000047;
	s10 =	sadd.s32 $0xFFFFFFF0, s9;
	s11 =	sadd.s32 s1, s5  }
0xa: {  	[tilespmem:s12], [sflag:$0x1] =	stream.linear.gather [hbm4b:s11+s8], $0x800, $0x38;
	[tilespmem:$0x2A00] =	vst v63  }
0xb: {  	p0 =	seq.s32 s3, $0x0;
	s28 =	sshrl.u32 s9, $0x3;
	s10 =	sshrl.u32 s10, $0x3  }
0xc: {  	p1 =	seq.s32 s3, $0xF;
	s11 =	sadd.s32 $0x100, s28;
	s10 =	simm.s32 @p0 $0xFFE  }
0xd: {  	s11 =	simm.s32 @p1 $0x0;
	s10 =	sadd.s32 s1, s10  }
0xe: {  	[tilespmem:s8], [sflag:$0x1] =	stream.linear.gather [hbm4b:s10+s8], $0x10, $0x38;
	[tilespmem:$0x2A00] =	vst v63  }
0xf: {  	s29 =	simm.s32 $0x810;
	s1 =	sadd.s32 s1, s11  }
0x10: {  	[tilespmem:s29], [sflag:$0x1] =	stream.linear.gather [hbm4b:s1+s8], $0x10, $0x38;
	[tilespmem:$0x2A00] =	vst v63  }
0x11: {  	s30 =	simm.s32 $0x880;
	s31 =	simm.s32 $0x1  }
0x12: {  	[tilespmem:s30], [sflag:$0x1] =	stream.linear.gather [hbm4b:s6+s8], $0x10, $0x38;
	[tilespmem:$0x2A00] =	vst v63  }
0x13: {  	_ =	swait.ge [sflag:s31], $0x800  }
0x14: {  	[sflag:s31] =	ssyncset.done $0x0  }
0x15: {  	[sflag:s31] =	ssyncadd.s32 $0xFFFFF800  }
0x16: {  	_ =	swait.ge [sflag:s31], $0x10  }
0x17: {  	[sflag:s31] =	ssyncset.done $0x0  }
0x18: {  	[sflag:s31] =	ssyncadd.s32 $0xFFFFFFF0  }
0x19: {  	_ =	swait.ge [sflag:s31], $0x10  }
0x1a: {  	[sflag:s31] =	ssyncset.done $0x0  }
0x1b: {  	[sflag:s31] =	ssyncadd.s32 $0xFFFFFFF0  }
0x1c: {  	_ =	swait.ge [sflag:s31], $0x10  }
0x1d: {  	[sflag:s31] =	ssyncset.done $0x0  }
0x1e: {  	[sflag:s31] =	ssyncadd.s32 $0xFFFFFFF0  }
0x1f: {  	v1 =	vld [tilespmem:$0x881];
	_ =	sdelay $0x2  }
0x20: {  	v0 =	vlaneseq.u32  }
0x21: {  	vm0 =	veq.s32 v0, $0xF;
	s1 =	sadd.s32 $0x800, s7;
	s7 =	simm.s32 $0xFFFFFFF8  }
0x22: {  	v2 =	vimm.s32 $0x0;
	v3 =	vimm.s32 $0x0;
	s6 =	sor.u32 $0x70, s9;
	s8 =	simm.s32 $0x41;
	s9 =	simm.s32 $0x940;
	v0 =	vld [tilespmem:$0x880];
	v1 =	vsel vm0, $0x8000, v1  }
.LBB2_1:
0x23: {  	v4 =	vld [tilespmem:s8+$0xFFFFFFCE]  }
0x24: {  	v5 =	vld [tilespmem:s8+$0xFFFFFFD0];
	_ =	sdelay $0x3  }
0x25: {  	vm0 =	vgt.s32 v4, $0x60  }
0x26: {  	v6 =	vadd.s32 $0xFFFFFF9F, v4;
	vm1 =	vgt.s32 v5, $0x60;
	v7 =	vadd.s32 $0xFFFFFF9F, v5  }
0x27: {  	v8 =	vld [tilespmem:s8+$0xFFFFFFCF];
	v4 =	vsel vm0, v6, v4;
	v5 =	vsel vm1, v7, v5  }
0x28: {  	v6 =	vmul.u32 v4, v5;
	_ =	sdelay $0x1  }
0x29: {  	v31 =	vmul.u32 $0x2A4, v6;
	_ =	sdelay $0x1  }
0x2a: {  	v32 =	vadd.s32 $0xFFFFFF9F, v8;
	v7 =	vshra.s32 v31, $0x10  }
0x2b: {  	vm5 =	veq.s32 v32, $0x1;
	v7 =	vmul.u32 $0xFFFFFF9F, v7  }
0x2c: {  	vm6 =	veq.s32 v32, $0x0;
	v9 =	vadd.s32 v4, v5;
	v4 =	vsub.s32 v4, v5  }
0x2d: {  	vm14 =	vgt.s32 v9, $0x60;
	vm15 =	vlt.s32 v4, $0x0;
	v6 =	vadd.s32 v6, v7  }
0x2e: {  	v5 =	vadd.s32 $0x61, v4;
	vm4 =	vlt.s32 v6, $0x0;
	v7 =	vadd.s32 $0x61, v6  }
0x2f: {  	v10 =	vadd.s32 $0xFFFFFF9F, v9;
	v4 =	vsel vm15, v5, v4;
	v5 =	vsel vm4, v7, v6  }
0x30: {  	v9 =	vsel vm14, v10, v9;
	v4 =	vsel vm5, v4, v5;
	v5 =	vadd.s32 $0xFFFFFF9C, v8  }
0x31: {  	v4 =	vsel vm6, v9, v4;
	vm7 =	vlt.u32 v5, $0xFFFFFFFD  }
0x32: {  	v4 =	vsel vm7, v8, v4  }
0x33: {  	[tilespmem:s9+$0xFFFFFFC0] =	vst v4  }
0x34: {  	v4 =	vld [tilespmem:s8+$0xFFFFFFDE]  }
0x35: {  	v5 =	vld [tilespmem:s8+$0xFFFFFFE0];
	_ =	sdelay $0x3  }
0x36: {  	vm8 =	vgt.s32 v4, $0x60  }
0x37: {  	v33 =	vadd.s32 $0xFFFFFF9F, v4;
	vm9 =	vgt.s32 v5, $0x60;
	v34 =	vadd.s32 $0xFFFFFF9F, v5  }
0x38: {  	v36 =	vld [tilespmem:s8+$0xFFFFFFDF];
	v4 =	vsel vm8, v33, v4;
	v5 =	vsel vm9, v34, v5  }
0x39: {  	v7 =	vmul.u32 v4, v5;
	_ =	sdelay $0x1  }
0x3a: {  	v35 =	vmul.u32 $0x2A4, v7;
	_ =	sdelay $0x1  }
0x3b: {  	v38 =	vadd.s32 $0xFFFFFF9F, v36;
	v9 =	vshra.s32 v35, $0x10  }
0x3c: {  	vm13 =	veq.s32 v38, $0x1;
	v9 =	vmul.u32 $0xFFFFFF9F, v9  }
0x3d: {  	vm14 =	veq.s32 v38, $0x0;
	v37 =	vadd.s32 v4, v5;
	v4 =	vsub.s32 v4, v5  }
0x3e: {  	vm10 =	vgt.s32 v37, $0x60;
	vm11 =	vlt.s32 v4, $0x0;
	v7 =	vadd.s32 v7, v9  }
0x3f: {  	v5 =	vadd.s32 $0x61, v4;
	vm12 =	vlt.s32 v7, $0x0;
	v9 =	vadd.s32 $0x61, v7  }
0x40: {  	v11 =	vadd.s32 $0xFFFFFF9F, v37;
	v4 =	vsel vm11, v5, v4;
	v5 =	vsel vm12, v9, v7  }
0x41: {  	v10 =	vsel vm10, v11, v37;
	v4 =	vsel vm13, v4, v5;
	v5 =	vadd.s32 $0xFFFFFF9C, v36  }
0x42: {  	v4 =	vsel vm14, v10, v4;
	vm15 =	vlt.u32 v5, $0xFFFFFFFD  }
0x43: {  	v4 =	vsel vm15, v36, v4  }
0x44: {  	[tilespmem:s9+$0xFFFFFFD0] =	vst v4  }
0x45: {  	v4 =	vld [tilespmem:s8+$0xFFFFFFEE]  }
0x46: {  	v5 =	vld [tilespmem:s8+$0xFFFFFFF0];
	_ =	sdelay $0x3  }
0x47: {  	vm4 =	vgt.s32 v4, $0x60  }
0x48: {  	v39 =	vadd.s32 $0xFFFFFF9F, v4;
	vm5 =	vgt.s32 v5, $0x60;
	v40 =	vadd.s32 $0xFFFFFF9F, v5  }
0x49: {  	v42 =	vld [tilespmem:s8+$0xFFFFFFEF];
	v4 =	vsel vm4, v39, v4;
	v5 =	vsel vm5, v40, v5  }
0x4a: {  	v9 =	vmul.u32 v4, v5;
	_ =	sdelay $0x1  }
0x4b: {  	v41 =	vmul.u32 $0x2A4, v9;
	_ =	sdelay $0x1  }
0x4c: {  	v44 =	vadd.s32 $0xFFFFFF9F, v42;
	v10 =	vshra.s32 v41, $0x10  }
0x4d: {  	vm9 =	veq.s32 v44, $0x1;
	v10 =	vmul.u32 $0xFFFFFF9F, v10  }
0x4e: {  	vm10 =	veq.s32 v44, $0x0;
	v43 =	vadd.s32 v4, v5;
	v4 =	vsub.s32 v4, v5  }
0x4f: {  	vm6 =	vgt.s32 v43, $0x60;
	vm7 =	vlt.s32 v4, $0x0;
	v9 =	vadd.s32 v9, v10  }
0x50: {  	v5 =	vadd.s32 $0x61, v4;
	vm8 =	vlt.s32 v9, $0x0;
	v10 =	vadd.s32 $0x61, v9  }
0x51: {  	v12 =	vadd.s32 $0xFFFFFF9F, v43;
	v4 =	vsel vm7, v5, v4;
	v5 =	vsel vm8, v10, v9  }
0x52: {  	v11 =	vsel vm6, v12, v43;
	v4 =	vsel vm9, v4, v5;
	v5 =	vadd.s32 $0xFFFFFF9C, v42  }
0x53: {  	v4 =	vsel vm10, v11, v4;
	vm11 =	vlt.u32 v5, $0xFFFFFFFD  }
0x54: {  	v4 =	vsel vm11, v42, v4  }
0x55: {  	[tilespmem:s9+$0xFFFFFFE0] =	vst v4  }
0x56: {  	v4 =	vld [tilespmem:s8+$0xFFFFFFFE]  }
0x57: {  	v5 =	vld [tilespmem:s8+$0x0]  }
0x58: {  	s25 =	sadd.s32 $0xFFFFFFA0, s6  }
0x59: {  	s26 =	sadd.s32 $0xFFFFFFB0, s6;
	v57 =	vmov s25;
	v48 =	vld [tilespmem:s8+$0xFFFFFFFF]  }
0x5a: {  	v27 =	vmov s26;
	v14 =	vsub.s32 v1, v57  }
0x5b: {  	v31 =	vsub.s32 v1, v27;
	vm14 =	vlt.s32 v8, $0x61;
	vm12 =	vgt.s32 v4, $0x60  }
0x5c: {  	v45 =	vadd.s32 $0xFFFFFF9F, v4;
	vm13 =	vgt.s32 v5, $0x60;
	v46 =	vadd.s32 $0xFFFFFF9F, v5  }
0x5d: {  	vm15 =	vlt.s32 v8, $0x64;
	v4 =	vsel vm12, v45, v4;
	v5 =	vsel vm13, v46, v5  }
0x5e: {  	s28 =	sadd.s32 $0xFFFFFFC0, s6;
	v8 =	vsel vm15, $0x10000, v2;
	v50 =	vadd.s32 $0xFFFFFF9F, v48;
	v10 =	vmul.u32 v4, v5  }
0x5f: {  	v8 =	vsel vm14, $0x1, v8;
	v40 =	vmov s28;
	vm7 =	veq.s32 v50, $0x1  }
0x60: {  	vm8 =	veq.s32 v50, $0x0;
	v49 =	vadd.s32 v4, v5;
	v47 =	vmul.u32 $0x2A4, v10  }
0x61: {  	v4 =	vsub.s32 v4, v5;
	vm4 =	vgt.s32 v49, $0x60;
	v13 =	vadd.s32 $0xFFFFFF9F, v49  }
0x62: {  	vm5 =	vlt.s32 v4, $0x0;
	v5 =	vadd.s32 $0x61, v4;
	v11 =	vshra.s32 v47, $0x10  }
0x63: {  	v12 =	vsel vm4, v13, v49;
	v4 =	vsel vm5, v5, v4;
	v11 =	vmul.u32 $0xFFFFFF9F, v11  }
0x64: {  	vm4 =	vgt.s32 v14, $0x1;
	vm5 =	vlt.s32 v36, $0x64;
	v13 =	vsub.s32 v0, v57  }
0x65: {  	v58 =	vnsel vm4, $0x1, v14;
	v59 =	vsel vm5, $0x10000, v2;
	v10 =	vadd.s32 v10, v11  }
0x66: {  	vm4 =	vgt.s32 v14, $0x0;
	vm6 =	vlt.s32 v10, $0x0;
	v11 =	vadd.s32 $0x61, v10  }
0x67: {  	vm5 =	vgt.s32 v31, $0x1;
	v22 =	vmin.u32 v58, $0x10;
	v5 =	vsel vm6, v11, v10  }
0x68: {  	v33 =	vnsel vm5, $0x1, v31;
	v4 =	vsel vm7, v4, v5;
	v5 =	vadd.s32 $0xFFFFFF9C, v48  }
0x69: {  	s10 =	sadd.s32 $0xFFFFFF90, s6;
	v25 =	vadd.s32 $0xFFFFFFFF, v22;
	v4 =	vsel vm8, v12, v4;
	vm9 =	vlt.u32 v5, $0xFFFFFFFD  }
0x6a: {  	v14 =	vmin.u32 v33, $0x10;
	v5 =	vmov s10;
	v4 =	vsel vm9, v48, v4  }
0x6b: {  	v14 =	vadd.s32 $0xFFFFFFFF, v14;
	vm6 =	vlt.s32 v36, $0x61;
	v51 =	vsub.s32 v1, v5;
	[tilespmem:s9+$0xFFFFFFF0] =	vst v4  }
0x6c: {  	(xrf0) =	vadd.scan.msk.s32 $0xffff, v8;
	v6 =	vsel vm6, $0x1, v59;
	v4 =	vsub.s32 v0, v5;
	vm10 =	vgt.s32 v51, $0x1;
	v5 =	vld [tilespmem:s8+$0xE]  }
0x6d: {  	vm12 =	vgt.s32 v51, $0x0;
	vm11 =	vgt.s32 v4, $0x1;
	v52 =	vnsel vm10, $0x1, v51;
	v53 =	vld [tilespmem:s8+$0x10]  }
0x6e: {  	(xrf0) =	vadd.scan.msk.s32 $0xffff, v6;
	vm15 =	vgt.s32 v4, $0x0;
	vm10 =	vlt.s32 v42, $0x64;
	v54 =	vnsel vm11, $0x1, v4  }
0x6f: {  	s29 =	sadd.s32 $0xFFFFFFD0, s6;
	s30 =	sadd.s32 $0xFFFFFFE0, s6;
	v10 =	vmin.u32 v52, $0x10;
	v20 =	vsel vm10, $0x10000, v2;
	vm10 =	vgt.s32 v31, $0x0  }
0x70: {  	v60 =	vld [tilespmem:s8+$0xF];
	v52 =	vmov s29;
	v31 =	vmov s30;
	v12 =	vmin.u32 v54, $0x10  }
0x71: {  	v12 =	vadd.s32 $0xFFFFFFFF, v12;
	vm13 =	vgt.s32 v5, $0x60;
	v56 =	vadd.s32 $0xFFFFFF9F, v5  }
0x72: {  	v55, _, _ =	vpop (xrf0);
	vm14 =	vgt.s32 v53, $0x60;
	v8 =	vsel vm13, v56, v5;
	v5 =	vadd.s32 $0xFFFFFF9F, v53  }
0x73: {  	v10 =	vadd.s32 $0xFFFFFFFF, v10;
	v12 =	vperm.xlane v55, v12;
	v11 =	vsel vm14, v5, v53  }
0x74: {  	v33 =	vsub.s32 v0, v31;
	v10 =	vperm.xlane v55, v10;
	v26, _, _ =	vpop (xrf0);
	v15 =	vmul.u32 v8, v11  }
0x75: {  	v30 =	vperm.xlane v26, v25;
	v19 =	vadd.s32 $0xFFFFFF9C, v60;
	v4 =	vnsel vm15, $0x0, v12  }
0x76: {  	vm13 =	vlt.u32 v19, $0xFFFFFFFD;
	vm15 =	vlt.s32 v42, $0x61;
	v16 =	vmul.u32 $0x2A4, v15  }
0x77: {  	v19 =	vsub.s32 v0, v40;
	v5 =	vnsel vm12, $0x0, v10;
	vm14 =	vgt.s32 v13, $0x1  }
0x78: {  	v23 =	vsel vm15, $0x1, v20;
	v53 =	vsub.s32 v0, v52;
	v16 =	vshra.s32 v16, $0x10  }
0x79: {  	v17 =	vadd.s32 v8, v11;
	v8 =	vsub.s32 v8, v11;
	(xrf0) =	vadd.scan.msk.s32 $0xffff, v23;
	v61 =	vmul.u32 $0xFFFFFF9F, v16  }
0x7a: {  	v21 =	vnsel vm14, $0x1, v13;
	vm8 =	vlt.s32 v8, $0x0;
	v18 =	vadd.s32 $0x61, v8  }
0x7b: {  	vm7 =	vgt.s32 v17, $0x60;
	v8 =	vsel vm8, v18, v8;
	v11 =	vadd.s32 v15, v61  }
0x7c: {  	v18 =	vadd.s32 $0xFFFFFF9F, v60;
	vm9 =	vlt.s32 v11, $0x0;
	v63 =	vadd.s32 $0x61, v11  }
0x7d: {  	v62 =	vadd.s32 $0xFFFFFF9F, v17;
	vm11 =	veq.s32 v18, $0x1;
	v6 =	vsel vm9, v63, v11  }
0x7e: {  	vm12 =	veq.s32 v18, $0x0;
	v16 =	vsel vm7, v62, v17;
	v6 =	vsel vm11, v8, v6  }
0x7f: {  	v3 =	vadd.s32 v3, v5;
	v24 =	vmin.u32 v21, $0x10;
	v36, _, _ =	vpop (xrf0);
	v6 =	vsel vm12, v16, v6  }
0x80: {  	v29 =	vadd.s32 $0xFFFFFFFF, v24;
	v38 =	vperm.xlane v36, v14;
	v6 =	vsel vm13, v60, v6  }
0x81: {  	v11 =	vsub.s32 v0, v27;
	vm9 =	vgt.s32 v13, $0x0;
	v13 =	vsub.s32 v1, v40;
	[tilespmem:s9+$0x0] =	vst v6  }
0x82: {  	vm6 =	vgt.s32 v11, $0x1;
	v8 =	vperm.xlane v26, v29;
	vm11 =	vlt.s32 v48, $0x61;
	v28 =	vld [tilespmem:s8+$0x1E]  }
0x83: {  	v34 =	vnsel vm6, $0x1, v11;
	vm12 =	vlt.s32 v48, $0x64;
	vm6 =	vgt.s32 v13, $0x1;
	v32 =	vld [tilespmem:s8+$0x20]  }
0x84: {  	v15 =	vmin.u32 v34, $0x10;
	v7 =	vnsel vm9, $0x0, v8;
	v8 =	vnsel vm10, $0x0, v38  }
0x85: {  	v9 =	vsel vm12, $0x10000, v2;
	v45 =	vnsel vm6, $0x1, v13;
	vm9 =	vgt.s32 v11, $0x0  }
0x86: {  	vm10 =	vgt.s32 v13, $0x0;
	v13 =	vsub.s32 v1, v52;
	vm12 =	vgt.s32 v53, $0x1  }
0x87: {  	v6 =	vnsel vm4, $0x0, v30;
	v15 =	vadd.s32 $0xFFFFFFFF, v15;
	v20 =	vld [tilespmem:s8+$0x1F];
	vm7 =	vgt.s32 v28, $0x60  }
0x88: {  	v35 =	vadd.s32 $0xFFFFFF9F, v28;
	vm8 =	vgt.s32 v32, $0x60;
	v37 =	vadd.s32 $0xFFFFFF9F, v32  }
0x89: {  	v9 =	vsel vm11, $0x1, v9;
	v10 =	vsel vm7, v35, v28;
	v39 =	vsel vm8, v37, v32  }
0x8a: {  	vm11 =	vgt.s32 v19, $0x0;
	v54 =	vnsel vm12, $0x1, v53;
	v16 =	vmul.u32 v10, v39  }
0x8b: {  	v4 =	vadd.s32 v7, v4;
	v46 =	vperm.xlane v36, v15;
	v3 =	vadd.s32 v6, v3  }
0x8c: {  	v3 =	vadd.s32 v8, v3;
	v43 =	vadd.s32 $0xFFFFFF9F, v20;
	v41 =	vmul.u32 $0x2A4, v16  }
0x8d: {  	(xrf0) =	vadd.scan.msk.s32 $0xffff, v9;
	v44 =	vadd.s32 $0xFFFFFF9C, v20;
	vm6 =	vlt.s32 v20, $0x61;
	vm4 =	veq.s32 v43, $0x1  }
0x8e: {  	vm5 =	veq.s32 v43, $0x0;
	vm8 =	vgt.s32 v19, $0x1;
	v17 =	vshra.s32 v41, $0x10  }
0x8f: {  	v21 =	vadd.s32 v10, v39;
	v10 =	vsub.s32 v10, v39;
	v17 =	vmul.u32 $0xFFFFFF9F, v17  }
0x90: {  	v47 =	vnsel vm8, $0x1, v19;
	vm13 =	vgt.s32 v21, $0x60;
	v22 =	vadd.s32 $0xFFFFFF9F, v21  }
0x91: {  	vm14 =	vlt.s32 v10, $0x0;
	v14 =	vadd.s32 $0x61, v10;
	v16 =	vadd.s32 v16, v17  }
0x92: {  	v48 =	vmin.u32 v47, $0x10;
	vm15 =	vlt.s32 v16, $0x0;
	v42 =	vadd.s32 $0x61, v16  }
0x93: {  	v49, _, _ =	vpop (xrf0);
	v10 =	vsel vm14, v14, v10;
	v11 =	vadd.s32 $0xFFFFFFFF, v48;
	v9 =	vsel vm15, v42, v16  }
0x94: {  	s31 =	sadd.s32 $0xFFFFFFF0, s6;
	v21 =	vsel vm13, v22, v21;
	v11 =	vperm.xlane v49, v11;
	v9 =	vsel vm4, v10, v9  }
0x95: {  	vm7 =	vlt.u32 v44, $0xFFFFFFFD;
	v41 =	vmov s31;
	v9 =	vsel vm5, v21, v9  }
0x96: {  	v11 =	vnsel vm11, $0x0, v11;
	v17 =	vmin.u32 v54, $0x10;
	v9 =	vsel vm7, v20, v9  }
0x97: {  	v43 =	vsub.s32 v0, v41;
	v17 =	vadd.s32 $0xFFFFFFFF, v17;
	v10 =	vmin.u32 v45, $0x10;
	[tilespmem:s9+$0x10] =	vst v9  }
0x98: {  	vm15 =	vlt.s32 v60, $0x61;
	vm4 =	vgt.s32 v13, $0x1;
	v10 =	vadd.s32 $0xFFFFFFFF, v10;
	v50 =	vld [tilespmem:s8+$0x2E]  }
0x99: {  	v57 =	vnsel vm4, $0x1, v13;
	vm5 =	vlt.s32 v60, $0x64;
	vm4 =	vgt.s32 v13, $0x0;
	v51 =	vld [tilespmem:s8+$0x30]  }
0x9a: {  	v10 =	vperm.xlane v49, v10;
	v18 =	vmin.u32 v57, $0x10;
	v60 =	vsel vm5, $0x10000, v2  }
0x9b: {  	vm7 =	vlt.s32 v20, $0x64;
	vm5 =	vgt.s32 v53, $0x0;
	v9 =	vnsel vm9, $0x0, v46  }
0x9c: {  	v59 =	vadd.s32 $0xFFFFFFFF, v18;
	v18 =	vsel vm15, $0x1, v60;
	v63 =	vsel vm7, $0x10000, v2  }
0x9d: {  	vm7 =	vgt.s32 v33, $0x0;
	v10 =	vnsel vm10, $0x0, v10;
	vm13 =	vgt.s32 v50, $0x60  }
0x9e: {  	v55 =	vadd.s32 $0xFFFFFF9F, v50;
	vm14 =	vgt.s32 v51, $0x60;
	v56 =	vadd.s32 $0xFFFFFF9F, v51  }
0x9f: {  	v62 =	vld [tilespmem:s8+$0x2F];
	v26 =	vsel vm6, $0x1, v63;
	v16 =	vsel vm13, v55, v50;
	v14 =	vsel vm14, v56, v51  }
0xa0: {  	(xrf0) =	vadd.scan.msk.s32 $0xffff, v18;
	v18 =	vsub.s32 v1, v31;
	v4 =	vadd.s32 v9, v4;
	v58 =	vmul.u32 v16, v14  }
0xa1: {  	vm15 =	vgt.s32 v18, $0x1;
	vm6 =	vgt.s32 v18, $0x0;
	v3 =	vadd.s32 v10, v3  }
0xa2: {  	v35 =	vnsel vm15, $0x1, v18;
	v18 =	vsub.s32 v1, v41;
	v61 =	vmul.u32 $0x2A4, v58  }
0xa3: {  	v4 =	vadd.s32 v11, v4;
	v13 =	vmin.u32 v35, $0x10;
	vm15 =	vgt.s32 v18, $0x0  }
0xa4: {  	v13 =	vadd.s32 $0xFFFFFFFF, v13;
	v28 =	vadd.s32 $0xFFFFFF9F, v62;
	v21 =	vshra.s32 v61, $0x10  }
0xa5: {  	v30 =	vadd.s32 $0xFFFFFF9C, v62;
	vm11 =	veq.s32 v28, $0x1;
	v21 =	vmul.u32 $0xFFFFFF9F, v21  }
0xa6: {  	(xrf0) =	vadd.scan.msk.s32 $0xffff, v26;
	vm12 =	veq.s32 v28, $0x0;
	v23 =	vadd.s32 v16, v14;
	v14 =	vsub.s32 v16, v14  }
0xa7: {  	vm8 =	vgt.s32 v23, $0x60;
	vm9 =	vlt.s32 v14, $0x0;
	v19 =	vadd.s32 v58, v21  }
0xa8: {  	v16 =	vadd.s32 $0x61, v14;
	vm10 =	vlt.s32 v19, $0x0;
	v21 =	vadd.s32 $0x61, v19  }
0xa9: {  	v24 =	vadd.s32 $0xFFFFFF9F, v23;
	v14 =	vsel vm9, v16, v14;
	v29 =	vsel vm10, v21, v19  }
0xaa: {  	vm13 =	vlt.u32 v30, $0xFFFFFFFD;
	v27 =	vsel vm8, v24, v23;
	v14 =	vsel vm11, v14, v29  }
0xab: {  	v32, _, _ =	vpop (xrf0);
	vm14 =	vgt.s32 v33, $0x1;
	v56 =	vmov s6;
	v14 =	vsel vm12, v27, v14  }
0xac: {  	v12 =	vperm.xlane v32, v59;
	v34 =	vnsel vm14, $0x1, v33;
	v38, _, _ =	vpop (xrf0);
	v14 =	vsel vm13, v62, v14  }
0xad: {  	vm14 =	vgt.s32 v18, $0x1;
	v57 =	vsub.s32 v0, v56;
	v13 =	vperm.xlane v38, v13;
	[tilespmem:s9+$0x20] =	vst v14  }
0xae: {  	v48 =	vnsel vm14, $0x1, v18;
	v12 =	vnsel vm4, $0x0, v12;
	v16 =	vperm.xlane v32, v17;
	v36 =	vld [tilespmem:s8+$0x3E]  }
0xaf: {  	v23 =	vmin.u32 v48, $0x10;
	v13 =	vnsel vm6, $0x0, v13;
	v3 =	vadd.s32 v12, v3;
	v37 =	vld [tilespmem:s8+$0x40]  }
0xb0: {  	v23 =	vadd.s32 $0xFFFFFFFF, v23;
	v15 =	vnsel vm5, $0x0, v16;
	v3 =	vadd.s32 v13, v3  }
0xb1: {  	v4 =	vadd.s32 v15, v4;
	vm10 =	vlt.s32 v62, $0x61;
	vm11 =	vlt.s32 v62, $0x64  }
0xb2: {  	v44 =	vsel vm11, $0x10000, v2;
	vm12 =	vgt.s32 v43, $0x1;
	v14 =	vmin.u32 v34, $0x10  }
0xb3: {  	vm11 =	vgt.s32 v57, $0x1;
	v14 =	vadd.s32 $0xFFFFFFFF, v14;
	vm8 =	vgt.s32 v36, $0x60  }
0xb4: {  	v49 =	vld [tilespmem:s8+$0x3F];
	v39 =	vadd.s32 $0xFFFFFF9F, v36;
	vm9 =	vgt.s32 v37, $0x60;
	v40 =	vadd.s32 $0xFFFFFF9F, v37  }
0xb5: {  	v14 =	vperm.xlane v38, v14;
	v16 =	vsel vm8, v39, v36;
	v17 =	vsel vm9, v40, v37  }
0xb6: {  	v21 =	vsel vm10, $0x1, v44;
	v59 =	vnsel vm11, $0x1, v57;
	v42 =	vmul.u32 v16, v17  }
0xb7: {  	v50 =	vnsel vm12, $0x1, v43;
	v61 =	vmin.u32 v59, $0x10;
	v14 =	vnsel vm7, $0x0, v14  }
0xb8: {  	(xrf0) =	vadd.scan.msk.s32 $0xffff, v21;
	v18 =	vadd.s32 $0xFFFFFFFF, v61;
	v4 =	vadd.s32 v14, v4;
	v45 =	vmul.u32 $0x2A4, v42  }
0xb9: {  	vm6 =	vlt.s32 v49, $0x64;
	vm7 =	vlt.s32 v49, $0x61;
	v22 =	vadd.s32 v16, v17  }
0xba: {  	vm13 =	vgt.s32 v22, $0x60;
	v46 =	vadd.s32 $0xFFFFFF9F, v22;
	v47 =	vshra.s32 v45, $0x10  }
0xbb: {  	v55 =	vadd.s32 $0xFFFFFF9F, v49;
	v21 =	vsel vm13, v46, v22;
	v22 =	vmul.u32 $0xFFFFFF9F, v47  }
0xbc: {  	v58 =	vadd.s32 $0xFFFFFF9C, v49;
	v54 =	vsel vm6, $0x10000, v2;
	v16 =	vsub.s32 v16, v17  }
0xbd: {  	vm4 =	vlt.s32 v16, $0x0;
	v19 =	vadd.s32 v42, v22;
	v22 =	vsel vm7, $0x1, v54  }
0xbe: {  	v53, _, _ =	vpop (xrf0);
	v51 =	vadd.s32 $0x61, v16;
	vm5 =	vlt.s32 v19, $0x0;
	v52 =	vadd.s32 $0x61, v19;
	(xrf0) =	vadd.scan.msk.s32 $0xffff, v22  }
0xbf: {  	vm9 =	veq.s32 v55, $0x1;
	v16 =	vsel vm4, v51, v16;
	v19 =	vsel vm5, v52, v19  }
0xc0: {  	v23 =	vperm.xlane v53, v23;
	v16 =	vsel vm9, v16, v19;
	v19 =	vsub.s32 v1, v56  }
0xc1: {  	vm8 =	vgt.s32 v43, $0x0;
	v17 =	vmin.u32 v50, $0x10;
	vm12 =	vgt.s32 v19, $0x1  }
0xc2: {  	vm10 =	veq.s32 v55, $0x0;
	v17 =	vadd.s32 $0xFFFFFFFF, v17;
	v60 =	vnsel vm12, $0x1, v19  }
0xc3: {  	s7 =	sadd.s32 $0x8, s7;
	v23 =	vnsel vm15, $0x0, v23;
	v16 =	vsel vm10, v21, v16;
	v21 =	vmin.u32 v60, $0x10  }
0xc4: {  	p0 =	slt.u32 s7, $0x78;
	vm15 =	vgt.s32 v57, $0x0;
	v17 =	vperm.xlane v53, v17;
	v21 =	vadd.s32 $0xFFFFFFFF, v21;
	v62, _, _ =	vpop (xrf0)  }
.Ltmp0:
0xc5: {  	vm13 =	vlt.u32 v58, $0xFFFFFFFD;
	v5 =	vperm.xlane v62, v21;
	v63 =	vperm.xlane v62, v18;
	(pc) =	sbr.rel @p0 .LBB2_1-.Ltmp0, $4  }
0xc6: {  	v3 =	vadd.s32 v23, v3;
	v17 =	vnsel vm8, $0x0, v17;
	vm14 =	vgt.s32 v19, $0x0  }
0xc7: {  	v4 =	vadd.s32 v17, v4;
	v5 =	vnsel vm14, $0x0, v5;
	v6 =	vnsel vm15, $0x0, v63  }
0xc8: {  	v16 =	vsel vm13, v49, v16;
	v3 =	vadd.s32 v5, v3;
	v4 =	vadd.s32 v6, v4  }
0xc9: {  	s6 =	sadd.s32 $0x80, s6;
	s8 =	sadd.s32 $0x80, s8;
	[tilespmem:s9+$0x30] =	vst v16;
	s9 =	sadd.s32 $0x80, s9;
	v3 =	vsub.s32 v3, v4  }
0xca: {  	s5 =	sadd.s32 s4, s5;
	s4 =	simm.s32 $0x0;
	s6 =	simm.s32 $0x900  }
0xcb: {  	v0 =	vand.u32 $0xFFFF, v3;
	[hbm4b:s5+s4] =	stream.linear.scatter [tilespmem:s6], [sflag:$0x1], $0x800, $0x38;
	[tilespmem:$0x2A00] =	vst v63  }
0xcc: {  	s30 =	sshll.u32 s3, $0x5;
	v1 =	vshra.s32 v3, $0x10;
	[tilespmem:$0x1100] =	vst v0  }
0xcd: {  	s31 =	simm.s32 $0x1100;
	s5 =	sadd.s32 s2, s30;
	[tilespmem:$0x1180] =	vst v1  }
0xce: {  	[hbm4b:s5+s4] =	stream.linear.scatter [tilespmem:s31], [sflag:$0x2], $0x100, $0x38;
	[tilespmem:$0x2A00] =	vst v63  }
0xcf: {  	s5 =	simm.s32 $0x2  }
0xd0: {  	_ =	swait.ge [sflag:s5], $0x100  }
0xd1: {  	[sflag:s5] =	ssyncset.done $0x0  }
0xd2: {  	p0 =	sne.s32 s3, $0x0;
	[sflag:s5] =	ssyncadd.s32 $0xFFFFFF00  }
0xd3: {  	s0 =	simm.s32 @p0 $0x1;
	[bflag:$0x0] =	sbarrier.arrive $0xFFFF  }
0xd4: {  	_ =	swait.ge @p0 [sflag:s0], $0x800  }
0xd5: {  	[sflag:s0] =	ssyncset.done @p0 $0x0  }
0xd6: {  	[sflag:s0] =	ssyncadd.s32 @p0 $0xFFFFF800  }
0xd7: {  	_ =	sfence.sel @p0 $0x180000  }
0xd8: {  	[bflag:$0x0] =	sbarrier.arrive @p0 $0xFFFF  }
0xd9: {  	_ =	strace @p0 $0x90000047  }
0xda: {  	[bflag:$0x2] =	sbarrier.arrive @p0 $0xFFFF  }
0xdb: {  	_ =	shalt @p0  }
.LBB2_3:
0xdc: {  	s3 =	simm.s32 $0x1200  }
0xdd: {  	[tilespmem:s3], [sflag:$0x2] =	stream.linear.gather [hbm4b:s2+s4], $0x1000, $0x38;
	[tilespmem:$0x2A00] =	vst v63  }
0xde: {  	_ =	swait.ge [sflag:s5], $0x1000  }
0xdf: {  	[sflag:s5] =	ssyncset.done $0x0  }
0xe0: {  	[sflag:s5] =	ssyncadd.s32 $0xFFFFF000  }
0xe1: {  	v0 =	vld [tilespmem:$0x1200]  }
0xe2: {  	v1 =	vld [tilespmem:$0x1280]  }
0xe3: {  	v2 =	vld [tilespmem:$0x1300]  }
0xe4: {  	v3 =	vld [tilespmem:$0x1380]  }
0xe5: {  	v4 =	vld [tilespmem:$0x1400]  }
0xe6: {  	v5 =	vld [tilespmem:$0x1480]  }
0xe7: {  	v6 =	vld [tilespmem:$0x1500]  }
0xe8: {  	v7 =	vld [tilespmem:$0x1580]  }
0xe9: {  	v8 =	vld [tilespmem:$0x1600]  }
0xea: {  	v9 =	vld [tilespmem:$0x1680]  }
0xeb: {  	v10 =	vld [tilespmem:$0x1700]  }
0xec: {  	v11 =	vld [tilespmem:$0x1780]  }
0xed: {  	v12 =	vld [tilespmem:$0x1800]  }
0xee: {  	v13 =	vld [tilespmem:$0x1880]  }
0xef: {  	v14 =	vld [tilespmem:$0x1900]  }
0xf0: {  	v15 =	vld [tilespmem:$0x1980]  }
0xf1: {  	v16 =	vld [tilespmem:$0x1A00]  }
0xf2: {  	v17 =	vld [tilespmem:$0x1A80]  }
0xf3: {  	v18 =	vld [tilespmem:$0x1B00]  }
0xf4: {  	v19 =	vld [tilespmem:$0x1B80]  }
0xf5: {  	v20 =	vld [tilespmem:$0x1C00]  }
0xf6: {  	v21 =	vld [tilespmem:$0x1C80]  }
0xf7: {  	v51 =	vld [tilespmem:$0x1D00];
	v0 =	vadd.s32 v0, v2;
	v1 =	vadd.s32 v1, v3  }
0xf8: {  	v52 =	vld [tilespmem:$0x1D80];
	v0 =	vadd.s32 v4, v0;
	v1 =	vadd.s32 v5, v1  }
0xf9: {  	v53 =	vld [tilespmem:$0x1E00];
	v0 =	vadd.s32 v6, v0;
	v1 =	vadd.s32 v7, v1  }
0xfa: {  	v54 =	vld [tilespmem:$0x1E80];
	v0 =	vadd.s32 v8, v0;
	v1 =	vadd.s32 v9, v1  }
0xfb: {  	v55 =	vld [tilespmem:$0x1F00];
	v0 =	vadd.s32 v10, v0;
	v1 =	vadd.s32 v11, v1  }
0xfc: {  	v56 =	vld [tilespmem:$0x1F80];
	v0 =	vadd.s32 v12, v0;
	v1 =	vadd.s32 v13, v1  }
0xfd: {  	v57 =	vld [tilespmem:$0x2000];
	v0 =	vadd.s32 v14, v0;
	v1 =	vadd.s32 v15, v1  }
0xfe: {  	v58 =	vld [tilespmem:$0x2080];
	v0 =	vadd.s32 v16, v0;
	v1 =	vadd.s32 v17, v1  }
0xff: {  	v59 =	vld [tilespmem:$0x2100];
	v0 =	vadd.s32 v18, v0;
	v1 =	vadd.s32 v19, v1  }
0x100: {  	v60 =	vld [tilespmem:$0x2180];
	v0 =	vadd.s32 v20, v0;
	v1 =	vadd.s32 v21, v1  }
0x101: {  	v61 =	vlaneseq.u32;
	v0 =	vadd.s32 v51, v0;
	v1 =	vadd.s32 v52, v1  }
0x102: {  	v2 =	vmul.u32 $0x80, v61;
	v0 =	vadd.s32 v53, v0;
	v1 =	vadd.s32 v54, v1  }
0x103: {  	v0 =	vadd.s32 v55, v0;
	v1 =	vadd.s32 v56, v1  }
0x104: {  	v62 =	vor.u32 $0x1, v2;
	v0 =	vadd.s32 v57, v0;
	v1 =	vadd.s32 v58, v1  }
0x105: {  	v63 =	vor.u32 $0x2, v2;
	v0 =	vadd.s32 v59, v0;
	v1 =	vadd.s32 v60, v1  }
0x106: {  	v0 =	vcvt.s32.f32 v0;
	v1 =	vcvt.s32.f32 v1  }
0x107: {  	s30 =	simm.s32 $0x2200  }
0x108: {  	[tilespmem:v2+s30+$0x0] =	vst.idx.msk $0xffff, v0;
	v0 =	vadd.f32 v1, v0  }
0x109: {  	[tilespmem:v62+s30+$0x0] =	vst.idx.msk $0xffff, v1  }
0x10a: {  	[tilespmem:v63+s30+$0x0] =	vst.idx.msk $0xffff, v0  }
0x10b: {  	[hbm4b:s1+s4] =	stream.linear.scatter [tilespmem:s30], [sflag:$0x2], $0x800, $0x38;
	[tilespmem:$0x2A00] =	vst v63  }
0x10c: {  	_ =	swait.ge [sflag:s5], $0x800  }
0x10d: {  	[sflag:s5] =	ssyncset.done $0x0  }
0x10e: {  	s31 =	simm.s32 $0x1;
	[sflag:s5] =	ssyncadd.s32 $0xFFFFF800  }
0x10f: {  	_ =	swait.ge [sflag:s31], $0x800  }
0x110: {  	[sflag:s31] =	ssyncset.done $0x0  }
0x111: {  	[sflag:s31] =	ssyncadd.s32 $0xFFFFF800  }
0x112: {  	_ =	sfence.sel $0x180000  }
0x113: {  	[bflag:$0x0] =	sbarrier.arrive $0xFFFF  }
0x114: {  	_ =	strace $0x90000047  }
0x115: {  	s0 =	sadd.s32 $0x100000, s0;
	[bflag:$0x2] =	sbarrier.arrive $0xFFFF  }
0x116: {  	[sflag:s0] =	ssyncadd.tile.s32 $0x1;
	_ =	shalt  }
.Lfunc_end2:
_tile_overlayer_lowered:
.L_overlay_start_2:
0x117: {  	(tag) =	ssettag $0x2  }
0x118: {  	s0 =	rddreg [dreg:$0x0];
	s2 =	stileid.u32  }
0x119: {  	s1 =	rddreg [dreg:$0x1];
	p0 =	sne.s32 s2, $0x0  }
0x11a: {  	s3 =	rddreg [dreg:$0x2];
	[bflag:$0x3] =	sbarrier.arrive $0xFFFF;
	s2 =	simm.s32 @!p0 $0x1C02  }
0x11b: {  	[timem:s3], [sflag:s2] =	dma.local @!p0 [hbm:s0], s1  }
0x11c: {  	s0 =	simm.s32 @!p0 $0x2  }
0x11d: {  	_ =	swait.ge @!p0 [sflag:s0], s1  }
0x11e: {  	s1 =	ssub.s32 @!p0 $0x0, s1;
	[sflag:s0] =	ssyncset.done @!p0 $0x0  }
0x11f: {  	[sflag:s0] =	ssyncadd.s32 @!p0 s1  }
0x120: {  	[bflag:$0x3] =	sbarrier.arrive $0xFFFF  }
0x121: {  	_ =	shalt  }

</sc_bundles>
